<compile_context>
chip_gen: v7x
topology: tpu7x:2x2x1
jax: 0.10.2.dev20260603
libtpu: 0.0.44.dev20260713+nightly
codegen_flags: <defaults>
</compile_context>

<pallas_src>
import dataclasses

import jax
import jax.numpy as jnp
from jax import lax
from jax.experimental import pallas as pl
from jax.experimental.pallas import tpu as pltpu
from jax.experimental.pallas import tpu_sc as plsc

NC = 2
NS = 16
NW = NC * NS
L = 16
K = 128
D = 128


def _compiler_params():
    cp = pltpu.CompilerParams()
    if "needs_layout_passes" in pltpu.CompilerParams.__dataclass_fields__:
        cp = dataclasses.replace(cp, needs_layout_passes=False)
    return cp


_MESH = plsc.VectorSubcoreMesh(core_axis_name="c", subcore_axis_name="s")


def _make_agg(nchunks, npad, compose_rows):
    rows_per_tile = npad // NS
    compose = compose_rows > 0

    scratch = [
        pltpu.VMEM((nchunks, K), jnp.int32),
        pltpu.VMEM((nchunks, K), jnp.int32),
        pltpu.VMEM((K,), jnp.int32),
        pltpu.VMEM((K, D), jnp.float32),
        pltpu.VMEM_SHARED((npad, D), jnp.float32),
        pltpu.SemaphoreType.DMA,
    ]
    if compose:
        scratch.insert(0, pltpu.VMEM((compose_rows,), jnp.int32))

    def body(*refs):
        if compose:
            (table_hbm, src_hbm, dst_hbm, cncpt_hbm, out_hbm,
             cncpt_v, src_v, dst_v, idx_v, rows_v, acc, sem) = refs
        else:
            (table_hbm, src_hbm, dst_hbm, out_hbm,
             src_v, dst_v, idx_v, rows_v, acc, sem) = refs
        c = lax.axis_index("c")
        s = lax.axis_index("s")
        w = s * NC + c

        pltpu.sync_copy(src_hbm.at[w], src_v)
        pltpu.sync_copy(dst_hbm.at[w], dst_v)
        if compose:
            pltpu.sync_copy(cncpt_hbm, cncpt_v)

        @pl.loop(0, K)
        def _(i):
            @pl.loop(0, D, step=L)
            def _(j):
                rows_v[i, pl.ds(j, L)] = jnp.zeros((L,), jnp.float32)

        @pl.loop(0, rows_per_tile, step=K)
        def _(r):
            pltpu.sync_copy(rows_v, acc.at[pl.ds(s * rows_per_tile + r, K)])

        plsc.subcore_barrier()

        @pl.loop(0, nchunks)
        def _(j):
            if compose:
                @pl.loop(0, K, step=L)
                def _(i):
                    sidx = src_v[j, pl.ds(i, L)]
                    idx_v[pl.ds(i, L)] = plsc.load_gather(cncpt_v, [sidx])
                gidx = idx_v
            else:
                gidx = src_v.at[j]
            pltpu.async_copy(table_hbm.at[gidx], rows_v, sem).wait()
            pltpu.sync_copy(rows_v, acc.at[dst_v.at[j]], add=True)

        plsc.subcore_barrier()
        pltpu.sync_copy(
            acc.at[pl.ds(s * rows_per_tile, rows_per_tile)],
            out_hbm.at[c, pl.ds(s * rows_per_tile, rows_per_tile)],
        )

    return pl.kernel(
        body,
        out_type=jax.ShapeDtypeStruct((NC, npad, D), jnp.float32),
        mesh=_MESH,
        scratch_types=scratch,
        compiler_params=_compiler_params(),
    )


def _tc_linear_relu(p, w, b, npad):
    br = 1024

    def body(p_ref, w_ref, b_ref, o_ref):
        x = p_ref[0] + p_ref[1]
        y = lax.dot_general(
            x, w_ref[...], (((1,), (1,)), ((), ())),
            preferred_element_type=jnp.float32,
        )
        o_ref[...] = jnp.maximum(y + b_ref[...], 0.0)

    return pl.pallas_call(
        body,
        grid=(npad // br,),
        in_specs=[
            pl.BlockSpec((NC, br, D), lambda i: (0, i, 0)),
            pl.BlockSpec((D, D), lambda i: (0, 0)),
            pl.BlockSpec((1, D), lambda i: (0, 0)),
        ],
        out_specs=pl.BlockSpec((br, D), lambda i: (i, 0)),
        out_shape=jax.ShapeDtypeStruct((npad, D), jnp.float32),
    )(p, w, b)


def kernel(cncpt_ids, edge_index, emb_table, W1, b1, W2, b2):
    n = cncpt_ids.shape[0]
    e = edge_index.shape[1]

    npad = -(-(n + 1) // (NS * K)) * (NS * K)
    nchunks = -(-e // (NW * K))
    epad = NW * nchunks * K

    src = edge_index[0].astype(jnp.int32)
    dst = edge_index[1].astype(jnp.int32)
    srcp = jnp.concatenate([src, jnp.zeros((epad - e,), jnp.int32)])
    dstp = jnp.concatenate([dst, jnp.full((epad - e,), n, jnp.int32)])
    srcp = srcp.reshape(NW, nchunks, K)
    dstp = dstp.reshape(NW, nchunks, K)
    cids = cncpt_ids.astype(jnp.int32)

    p1 = _make_agg(nchunks, npad, compose_rows=n)(emb_table, srcp, dstp, cids)
    h1 = _tc_linear_relu(p1, W1, b1.reshape(1, D), npad)

    p2 = _make_agg(nchunks, npad, compose_rows=0)(h1, srcp, dstp)
    h2 = _tc_linear_relu(p2, W2, b2.reshape(1, D), npad)
    return h2[:n]

# --- scband reference (transcript-rebuilt; emitter-appended) ---
"""Pipeline reference for scband-gcn-encoder-19774029431051 (READ-ONLY COPY).

The authoritative reference and input builder live on the scoring server;
editing this copy changes nothing except your own understanding.
"""

import jax, jax.numpy as jnp
import numpy as np

N = 10000
E = 320000
VOCAB = 100000
D = 128
H = 128
O = 128


def setup_inputs(seed: int = 0) -> dict:
    key = jax.random.key(seed)
    ks = jax.random.split(key, 8)
    cncpt_ids = jax.random.randint(ks[0], (N,), 0, VOCAB)
    edge_index = jax.random.randint(ks[1], (2, E), 0, N)
    emb_table = jax.random.normal(ks[2], (VOCAB, D), dtype=jnp.float32) * 0.02
    W1 = jax.random.normal(ks[3], (H, D), dtype=jnp.float32) * (1.0 / np.sqrt(D))
    b1 = jnp.zeros((H,), dtype=jnp.float32)
    W2 = jax.random.normal(ks[4], (O, H), dtype=jnp.float32) * (1.0 / np.sqrt(H))
    b2 = jnp.zeros((O,), dtype=jnp.float32)
    return {
        "cncpt_ids": cncpt_ids,
        "edge_index": edge_index,
        "emb_table": emb_table,
        "W1": W1,
        "b1": b1,
        "W2": W2,
        "b2": b2,
    }


def reference(cncpt_ids, edge_index, emb_table, W1, b1, W2, b2):
    # GCN_Encoder.forward:
    #   features = concept_emd(g.ndata['cncpt_ids'])
    #   gcn layer = update_all(copy_src 'h' -> sum into 'h') then apply Linear + relu per node
    src = edge_index[0]
    dst = edge_index[1]
    feats = jnp.take(emb_table, cncpt_ids, axis=0)  # embedding lookup [N, D]
    # layer 1: copy_src + sum reduce (scatter-add over dst), then Linear + ReLU
    msg1 = jnp.take(feats, src, axis=0)             # gather [E, D]
    agg1 = jax.ops.segment_sum(msg1, dst, num_segments=N)
    h1 = jax.nn.relu(agg1 @ W1.T + b1)              # [N, H]
    # layer 2
    msg2 = jnp.take(h1, src, axis=0)                # gather [E, H]
    agg2 = jax.ops.segment_sum(msg2, dst, num_segments=N)
    h2 = jax.nn.relu(agg2 @ W2.T + b2)              # [N, O] == g.ndata['h']
    return h2

if __name__ == "__main__":
    import jax
    _d = setup_inputs()
    print(jax.jit(kernel)(*tuple(_d.values())))

</pallas_src>

<mosaic_0001>
#map = affine_map<(d0, d1) -> (0, 0)>
#map1 = affine_map<(d0, d1) -> (0, 0, 0)>
#map2 = affine_map<(d0, d1) -> (0)>
module attributes {stable_mosaic.version = 14 : i64} {
  func.func @body(%arg0: i32, %arg1: i32, %arg2: memref<100000x128xf32, #tpu.memory_space<hbm>>, %arg3: memref<32x79x128xi32, #tpu.memory_space<hbm>>, %arg4: memref<32x79x128xi32, #tpu.memory_space<hbm>>, %arg5: memref<10000xi32, #tpu.memory_space<hbm>>, %arg6: memref<2x10240x128xf32, #tpu.memory_space<hbm>>, %arg7: memref<10000xi32, #tpu.memory_space<vmem>>, %arg8: memref<79x128xi32, #tpu.memory_space<vmem>>, %arg9: memref<79x128xi32, #tpu.memory_space<vmem>>, %arg10: memref<128xi32, #tpu.memory_space<vmem>>, %arg11: memref<128x128xf32, #tpu.memory_space<vmem>>, %arg12: memref<10240x128xf32, #tpu.memory_space<vmem_shared>>, %arg13: memref<!tpu.dma_semaphore, #tpu.memory_space<semaphore_mem>>) attributes {dimension_semantics = [#tpu.dimension_semantics<core_parallel>, #tpu.dimension_semantics<subcore_parallel>], iteration_bounds = array<i64: 2, 16>, scalar_prefetch = 0 : i64, scratch_operands = 7 : i64, tpu.core_type = #tpu.core_type<sc_vector_subcore>, window_params = [{transform_indices = #map}, {transform_indices = #map1}, {transform_indices = #map1}, {transform_indices = #map2}, {transform_indices = #map1}]} {
    %mul3A = arith.constant 2 : i32
    %mul3A_0 = arith.muli %arg1, %mul3A : i32
    %add3A = arith.addi %mul3A_0, %arg0 : i32
    "tpu.region"() ({
      %run_scoped3A = tpu.sem_alloc : memref<!tpu.dma_semaphore, #tpu.memory_space<semaphore_mem>>
      %dma_start3A = arith.constant 0 : i32
      %dma_start3A_20 = arith.constant 0 : i32
      %dma_start3A_21 = tpu.memref_slice %arg3[%add3A, %dma_start3A, %dma_start3A_20] : memref<32x79x128xi32, #tpu.memory_space<hbm>> -> memref<1x79x128xi32, #tpu.memory_space<hbm>>
      %dma_start3A_22 = tpu.memref_squeeze %dma_start3A_21 : memref<1x79x128xi32, #tpu.memory_space<hbm>> -> memref<79x128xi32, #tpu.memory_space<hbm>>
      %dma_start3A_23 = arith.constant 0 : i32
      %dma_start3A_24 = arith.constant 0 : i32
      %dma_start3A_25 = tpu.memref_slice %arg3[%add3A, %dma_start3A_23, %dma_start3A_24] : memref<32x79x128xi32, #tpu.memory_space<hbm>> -> memref<1x79x128xi32, #tpu.memory_space<hbm>>
      %dma_start3A_26 = tpu.memref_squeeze %dma_start3A_25 : memref<1x79x128xi32, #tpu.memory_space<hbm>> -> memref<79x128xi32, #tpu.memory_space<hbm>>
      tpu.enqueue_dma source(%dma_start3A_26 : memref<79x128xi32, #tpu.memory_space<hbm>>) target(%arg8 : memref<79x128xi32, #tpu.memory_space<vmem>>) target_semaphore(%run_scoped3A : memref<!tpu.dma_semaphore, #tpu.memory_space<semaphore_mem>>)
      %dma_wait3A = arith.constant 0 : i32
      %dma_wait3A_27 = arith.constant 0 : i32
      %dma_wait3A_28 = tpu.memref_slice %arg3[%add3A, %dma_wait3A, %dma_wait3A_27] : memref<32x79x128xi32, #tpu.memory_space<hbm>> -> memref<1x79x128xi32, #tpu.memory_space<hbm>>
      %dma_wait3A_29 = tpu.memref_squeeze %dma_wait3A_28 : memref<1x79x128xi32, #tpu.memory_space<hbm>> -> memref<79x128xi32, #tpu.memory_space<hbm>>
      %dma_wait3A_30 = arith.constant 0 : i32
      %dma_wait3A_31 = arith.constant 0 : i32
      %dma_wait3A_32 = tpu.memref_slice %arg3[%add3A, %dma_wait3A_30, %dma_wait3A_31] : memref<32x79x128xi32, #tpu.memory_space<hbm>> -> memref<1x79x128xi32, #tpu.memory_space<hbm>>
      %dma_wait3A_33 = tpu.memref_squeeze %dma_wait3A_32 : memref<1x79x128xi32, #tpu.memory_space<hbm>> -> memref<79x128xi32, #tpu.memory_space<hbm>>
      tpu.wait_dma2 semaphore(%run_scoped3A : memref<!tpu.dma_semaphore, #tpu.memory_space<semaphore_mem>>) src(%dma_wait3A_33 : memref<79x128xi32, #tpu.memory_space<hbm>>) dst(%arg8 : memref<79x128xi32, #tpu.memory_space<vmem>>)
      tpu.yield
    }) : () -> ()
    "tpu.region"() ({
      %run_scoped3A = tpu.sem_alloc : memref<!tpu.dma_semaphore, #tpu.memory_space<semaphore_mem>>
      %dma_start3A = arith.constant 0 : i32
      %dma_start3A_20 = arith.constant 0 : i32
      %dma_start3A_21 = tpu.memref_slice %arg4[%add3A, %dma_start3A, %dma_start3A_20] : memref<32x79x128xi32, #tpu.memory_space<hbm>> -> memref<1x79x128xi32, #tpu.memory_space<hbm>>
      %dma_start3A_22 = tpu.memref_squeeze %dma_start3A_21 : memref<1x79x128xi32, #tpu.memory_space<hbm>> -> memref<79x128xi32, #tpu.memory_space<hbm>>
      %dma_start3A_23 = arith.constant 0 : i32
      %dma_start3A_24 = arith.constant 0 : i32
      %dma_start3A_25 = tpu.memref_slice %arg4[%add3A, %dma_start3A_23, %dma_start3A_24] : memref<32x79x128xi32, #tpu.memory_space<hbm>> -> memref<1x79x128xi32, #tpu.memory_space<hbm>>
      %dma_start3A_26 = tpu.memref_squeeze %dma_start3A_25 : memref<1x79x128xi32, #tpu.memory_space<hbm>> -> memref<79x128xi32, #tpu.memory_space<hbm>>
      tpu.enqueue_dma source(%dma_start3A_26 : memref<79x128xi32, #tpu.memory_space<hbm>>) target(%arg9 : memref<79x128xi32, #tpu.memory_space<vmem>>) target_semaphore(%run_scoped3A : memref<!tpu.dma_semaphore, #tpu.memory_space<semaphore_mem>>)
      %dma_wait3A = arith.constant 0 : i32
      %dma_wait3A_27 = arith.constant 0 : i32
      %dma_wait3A_28 = tpu.memref_slice %arg4[%add3A, %dma_wait3A, %dma_wait3A_27] : memref<32x79x128xi32, #tpu.memory_space<hbm>> -> memref<1x79x128xi32, #tpu.memory_space<hbm>>
      %dma_wait3A_29 = tpu.memref_squeeze %dma_wait3A_28 : memref<1x79x128xi32, #tpu.memory_space<hbm>> -> memref<79x128xi32, #tpu.memory_space<hbm>>
      %dma_wait3A_30 = arith.constant 0 : i32
      %dma_wait3A_31 = arith.constant 0 : i32
      %dma_wait3A_32 = tpu.memref_slice %arg4[%add3A, %dma_wait3A_30, %dma_wait3A_31] : memref<32x79x128xi32, #tpu.memory_space<hbm>> -> memref<1x79x128xi32, #tpu.memory_space<hbm>>
      %dma_wait3A_33 = tpu.memref_squeeze %dma_wait3A_32 : memref<1x79x128xi32, #tpu.memory_space<hbm>> -> memref<79x128xi32, #tpu.memory_space<hbm>>
      tpu.wait_dma2 semaphore(%run_scoped3A : memref<!tpu.dma_semaphore, #tpu.memory_space<semaphore_mem>>) src(%dma_wait3A_33 : memref<79x128xi32, #tpu.memory_space<hbm>>) dst(%arg9 : memref<79x128xi32, #tpu.memory_space<vmem>>)
      tpu.yield
    }) : () -> ()
    "tpu.region"() ({
      %run_scoped3A = tpu.sem_alloc : memref<!tpu.dma_semaphore, #tpu.memory_space<semaphore_mem>>
      tpu.enqueue_dma source(%arg5 : memref<10000xi32, #tpu.memory_space<hbm>>) target(%arg7 : memref<10000xi32, #tpu.memory_space<vmem>>) target_semaphore(%run_scoped3A : memref<!tpu.dma_semaphore, #tpu.memory_space<semaphore_mem>>)
      tpu.wait_dma2 semaphore(%run_scoped3A : memref<!tpu.dma_semaphore, #tpu.memory_space<semaphore_mem>>) src(%arg5 : memref<10000xi32, #tpu.memory_space<hbm>>) dst(%arg7 : memref<10000xi32, #tpu.memory_space<vmem>>)
      tpu.yield
    }) : () -> ()
    %scan3A = arith.constant 0 : i32
    %scan3A_1 = arith.constant 128 : i32
    %scan3A_2 = arith.addi %scan3A, %scan3A_1 : i32
    %scan3A_3 = arith.constant 1 : i32
    scf.for %scan3A_20 = %scan3A to %scan3A_2 step %scan3A_3  : i32 {
      %mul3A_21 = arith.constant 1 : i32
      %mul3A_22 = arith.muli %scan3A_20, %mul3A_21 : i32
      %add3A_23 = arith.constant 0 : i32
      %add3A_24 = arith.addi %add3A_23, %mul3A_22 : i32
      %scan3A_25 = arith.constant 0 : i32
      %scan3A_26 = arith.constant 8 : i32
      %scan3A_27 = arith.addi %scan3A_25, %scan3A_26 : i32
      %scan3A_28 = arith.constant 1 : i32
      scf.for %scan3A_30 = %scan3A_25 to %scan3A_27 step %scan3A_28  : i32 {
        %mul3A_31 = arith.constant 16 : i32
        %mul3A_32 = arith.muli %scan3A_30, %mul3A_31 : i32
        %add3A_33 = arith.constant 0 : i32
        %add3A_34 = arith.addi %add3A_33, %mul3A_32 : i32
        %broadcast_in_dim3A = arith.constant 0.000000e+00 : f32
        %broadcast_in_dim3A_35 = vector.broadcast %broadcast_in_dim3A : f32 to vector<16xf32>
        %swap3A = arith.index_cast %add3A_24 : i32 to index
        %swap3A_36 = arith.index_cast %add3A_34 : i32 to index
        %swap3A_37 = tpu.vector_load %arg11[%swap3A, %swap3A_36] {strides = array<i32>} : memref<128x128xf32, #tpu.memory_space<vmem>>, vector<16xf32>,
        tpu.vector_store %arg11[%swap3A, %swap3A_36], %broadcast_in_dim3A_35 {strides = array<i32>} : memref<128x128xf32, #tpu.memory_space<vmem>>, vector<16xf32>,
      }
      %scan3A_29 = arith.constant 8 : i32
    }
    %scan3A_4 = arith.constant 128 : i32
    %scan3A_5 = arith.constant 0 : i32
    %scan3A_6 = arith.constant 5 : i32
    %scan3A_7 = arith.addi %scan3A_5, %scan3A_6 : i32
    %scan3A_8 = arith.constant 1 : i32
    scf.for %scan3A_20 = %scan3A_5 to %scan3A_7 step %scan3A_8  : i32 {
      %mul3A_21 = arith.constant 128 : i32
      %mul3A_22 = arith.muli %scan3A_20, %mul3A_21 : i32
      %add3A_23 = arith.constant 0 : i32
      %add3A_24 = arith.addi %add3A_23, %mul3A_22 : i32
      %mul3A_25 = arith.constant 640 : i32
      %mul3A_26 = arith.muli %arg1, %mul3A_25 : i32
      %add3A_27 = arith.addi %mul3A_26, %add3A_24 : i32
      "tpu.region"() ({
        %run_scoped3A = tpu.sem_alloc : memref<!tpu.dma_semaphore, #tpu.memory_space<semaphore_mem>>
        %dma_start3A = arith.constant 0 : i32
        %dma_start3A_28 = tpu.memref_slice %arg12[%add3A_27, %dma_start3A] : memref<10240x128xf32, #tpu.memory_space<vmem_shared>> -> memref<128x128xf32, #tpu.memory_space<vmem_shared>>
        %dma_start3A_29 = arith.constant 0 : i32
        %dma_start3A_30 = tpu.memref_slice %arg12[%add3A_27, %dma_start3A_29] : memref<10240x128xf32, #tpu.memory_space<vmem_shared>> -> memref<128x128xf32, #tpu.memory_space<vmem_shared>>
        tpu.enqueue_dma source(%arg11 : memref<128x128xf32, #tpu.memory_space<vmem>>) target(%dma_start3A_30 : memref<128x128xf32, #tpu.memory_space<vmem_shared>>) target_semaphore(%run_scoped3A : memref<!tpu.dma_semaphore, #tpu.memory_space<semaphore_mem>>)
        %dma_wait3A = arith.constant 0 : i32
        %dma_wait3A_31 = tpu.memref_slice %arg12[%add3A_27, %dma_wait3A] : memref<10240x128xf32, #tpu.memory_space<vmem_shared>> -> memref<128x128xf32, #tpu.memory_space<vmem_shared>>
        %dma_wait3A_32 = arith.constant 0 : i32
        %dma_wait3A_33 = tpu.memref_slice %arg12[%add3A_27, %dma_wait3A_32] : memref<10240x128xf32, #tpu.memory_space<vmem_shared>> -> memref<128x128xf32, #tpu.memory_space<vmem_shared>>
        tpu.wait_dma2 semaphore(%run_scoped3A : memref<!tpu.dma_semaphore, #tpu.memory_space<semaphore_mem>>) src(%arg11 : memref<128x128xf32, #tpu.memory_space<vmem>>) dst(%dma_wait3A_33 : memref<128x128xf32, #tpu.memory_space<vmem_shared>>)
        tpu.yield
      }) : () -> ()
    }
    %scan3A_9 = arith.constant 5 : i32
    %barrier3A = arith.constant 0 : index
    tpu.barrier barrier_id(%barrier3A)
    %scan3A_10 = arith.constant 0 : i32
    %scan3A_11 = arith.constant 79 : i32
    %scan3A_12 = arith.addi %scan3A_10, %scan3A_11 : i32
    %scan3A_13 = arith.constant 1 : i32
    scf.for %scan3A_20 = %scan3A_10 to %scan3A_12 step %scan3A_13  : i32 {
      %mul3A_21 = arith.constant 1 : i32
      %mul3A_22 = arith.muli %scan3A_20, %mul3A_21 : i32
      %add3A_23 = arith.constant 0 : i32
      %add3A_24 = arith.addi %add3A_23, %mul3A_22 : i32
      %scan3A_25 = arith.constant 0 : i32
      %scan3A_26 = arith.constant 8 : i32
      %scan3A_27 = arith.addi %scan3A_25, %scan3A_26 : i32
      %scan3A_28 = arith.constant 1 : i32
      scf.for %scan3A_34 = %scan3A_25 to %scan3A_27 step %scan3A_28  : i32 {
        %mul3A_35 = arith.constant 16 : i32
        %mul3A_36 = arith.muli %scan3A_34, %mul3A_35 : i32
        %add3A_37 = arith.constant 0 : i32
        %add3A_38 = arith.addi %add3A_37, %mul3A_36 : i32
        %get3A = arith.index_cast %add3A_24 : i32 to index
        %get3A_39 = arith.index_cast %add3A_38 : i32 to index
        %get3A_40 = tpu.vector_load %arg8[%get3A, %get3A_39] {strides = array<i32>} : memref<79x128xi32, #tpu.memory_space<vmem>>, vector<16xi32>,
        %gather3A = tpu.vector_load_idx %arg7[%get3A_40] : memref<10000xi32, #tpu.memory_space<vmem>>[vector<16xi32>], vector<16xi32>,
        %swap3A = arith.index_cast %add3A_38 : i32 to index
        %swap3A_41 = tpu.vector_load %arg10[%swap3A] {strides = array<i32>} : memref<128xi32, #tpu.memory_space<vmem>>, vector<16xi32>,
        tpu.vector_store %arg10[%swap3A], %gather3A {strides = array<i32>} : memref<128xi32, #tpu.memory_space<vmem>>, vector<16xi32>,
      }
      %scan3A_29 = arith.constant 8 : i32
      %dma_start3A = arith.constant 0 : i32
      %dma_start3A_30 = arith.constant 0 : i32
      %dma_start3A_31 = tpu.memref_slice %arg2[%dma_start3A, %dma_start3A_30] : memref<100000x128xf32, #tpu.memory_space<hbm>> -> memref<100000x128xf32, #tpu.memory_space<hbm>>
      tpu.enqueue_indirect_dma source(%dma_start3A_31 : memref<100000x128xf32, #tpu.memory_space<hbm>>) target(%arg11 : memref<128x128xf32, #tpu.memory_space<vmem>>) offsets(%arg10 : memref<128xi32, #tpu.memory_space<vmem>>) semaphore(%arg13 : memref<!tpu.dma_semaphore, #tpu.memory_space<semaphore_mem>>)
      %dma_wait3A = arith.constant 0 : i32
      %dma_wait3A_32 = arith.constant 0 : i32
      %dma_wait3A_33 = tpu.memref_slice %arg2[%dma_wait3A, %dma_wait3A_32] : memref<100000x128xf32, #tpu.memory_space<hbm>> -> memref<100000x128xf32, #tpu.memory_space<hbm>>
      tpu.wait_indirect_dma semaphore(%arg13 : memref<!tpu.dma_semaphore, #tpu.memory_space<semaphore_mem>>) src(%dma_wait3A_33 : memref<100000x128xf32, #tpu.memory_space<hbm>>) dst(%arg11 : memref<128x128xf32, #tpu.memory_space<vmem>>)
      "tpu.region"() ({
        %run_scoped3A = tpu.sem_alloc : memref<!tpu.dma_semaphore, #tpu.memory_space<semaphore_mem>>
        %dma_start3A_34 = arith.constant 0 : i32
        %dma_start3A_35 = tpu.memref_slice %arg9[%add3A_24, %dma_start3A_34] : memref<79x128xi32, #tpu.memory_space<vmem>> -> memref<1x128xi32, #tpu.memory_space<vmem>>
        %dma_start3A_36 = tpu.memref_squeeze %dma_start3A_35 : memref<1x128xi32, #tpu.memory_space<vmem>> -> memref<128xi32, #tpu.memory_space<vmem>>
        %dma_start3A_37 = arith.constant 0 : i32
        %dma_start3A_38 = arith.constant 0 : i32
        %dma_start3A_39 = tpu.memref_slice %arg12[%dma_start3A_37, %dma_start3A_38] : memref<10240x128xf32, #tpu.memory_space<vmem_shared>> -> memref<10240x128xf32, #tpu.memory_space<vmem_shared>>
        tpu.enqueue_indirect_dma source(%arg11 : memref<128x128xf32, #tpu.memory_space<vmem>>) target(%dma_start3A_39 : memref<10240x128xf32, #tpu.memory_space<vmem_shared>>) offsets(%dma_start3A_36 : memref<128xi32, #tpu.memory_space<vmem>>) semaphore(%run_scoped3A : memref<!tpu.dma_semaphore, #tpu.memory_space<semaphore_mem>>) {add = true}
        %dma_wait3A_40 = arith.constant 0 : i32
        %dma_wait3A_41 = tpu.memref_slice %arg9[%add3A_24, %dma_wait3A_40] : memref<79x128xi32, #tpu.memory_space<vmem>> -> memref<1x128xi32, #tpu.memory_space<vmem>>
        %dma_wait3A_42 = tpu.memref_squeeze %dma_wait3A_41 : memref<1x128xi32, #tpu.memory_space<vmem>> -> memref<128xi32, #tpu.memory_space<vmem>>
        %dma_wait3A_43 = arith.constant 0 : i32
        %dma_wait3A_44 = arith.constant 0 : i32
        %dma_wait3A_45 = tpu.memref_slice %arg12[%dma_wait3A_43, %dma_wait3A_44] : memref<10240x128xf32, #tpu.memory_space<vmem_shared>> -> memref<10240x128xf32, #tpu.memory_space<vmem_shared>>
        tpu.wait_indirect_dma semaphore(%run_scoped3A : memref<!tpu.dma_semaphore, #tpu.memory_space<semaphore_mem>>) src(%arg11 : memref<128x128xf32, #tpu.memory_space<vmem>>) dst(%dma_wait3A_45 : memref<10240x128xf32, #tpu.memory_space<vmem_shared>>)
        tpu.yield
      }) : () -> ()
    }
    %scan3A_14 = arith.constant 79 : i32
    %barrier3A_15 = arith.constant 0 : index
    tpu.barrier barrier_id(%barrier3A_15)
    %mul3A_16 = arith.constant 640 : i32
    %mul3A_17 = arith.muli %arg1, %mul3A_16 : i32
    %mul3A_18 = arith.constant 640 : i32
    %mul3A_19 = arith.muli %arg1, %mul3A_18 : i32
    "tpu.region"() ({
      %run_scoped3A = tpu.sem_alloc : memref<!tpu.dma_semaphore, #tpu.memory_space<semaphore_mem>>
      %dma_start3A = arith.constant 0 : i32
      %dma_start3A_20 = tpu.memref_slice %arg6[%arg0, %mul3A_19, %dma_start3A] : memref<2x10240x128xf32, #tpu.memory_space<hbm>> -> memref<1x640x128xf32, #tpu.memory_space<hbm>>
      %dma_start3A_21 = tpu.memref_squeeze %dma_start3A_20 : memref<1x640x128xf32, #tpu.memory_space<hbm>> -> memref<640x128xf32, #tpu.memory_space<hbm>>
      %dma_start3A_22 = arith.constant 0 : i32
      %dma_start3A_23 = tpu.memref_slice %arg12[%mul3A_17, %dma_start3A_22] : memref<10240x128xf32, #tpu.memory_space<vmem_shared>> -> memref<640x128xf32, #tpu.memory_space<vmem_shared>>
      tpu.enqueue_dma source(%dma_start3A_23 : memref<640x128xf32, #tpu.memory_space<vmem_shared>>) target(%dma_start3A_21 : memref<640x128xf32, #tpu.memory_space<hbm>>) target_semaphore(%run_scoped3A : memref<!tpu.dma_semaphore, #tpu.memory_space<semaphore_mem>>)
      %dma_wait3A = arith.constant 0 : i32
      %dma_wait3A_24 = tpu.memref_slice %arg6[%arg0, %mul3A_19, %dma_wait3A] : memref<2x10240x128xf32, #tpu.memory_space<hbm>> -> memref<1x640x128xf32, #tpu.memory_space<hbm>>
      %dma_wait3A_25 = tpu.memref_squeeze %dma_wait3A_24 : memref<1x640x128xf32, #tpu.memory_space<hbm>> -> memref<640x128xf32, #tpu.memory_space<hbm>>
      %dma_wait3A_26 = arith.constant 0 : i32
      %dma_wait3A_27 = tpu.memref_slice %arg12[%mul3A_17, %dma_wait3A_26] : memref<10240x128xf32, #tpu.memory_space<vmem_shared>> -> memref<640x128xf32, #tpu.memory_space<vmem_shared>>
      tpu.wait_dma2 semaphore(%run_scoped3A : memref<!tpu.dma_semaphore, #tpu.memory_space<semaphore_mem>>) src(%dma_wait3A_27 : memref<640x128xf32, #tpu.memory_space<vmem_shared>>) dst(%dma_wait3A_25 : memref<640x128xf32, #tpu.memory_space<hbm>>)
      tpu.yield
    }) : () -> ()
    return
  }
}

#map = affine_map<(d0, d1) -> (0, 0)>
#map1 = affine_map<(d0, d1) -> (0, 0, 0)>
module attributes {stable_mosaic.version = 14 : i64} {
  func.func @body(%arg0: i32, %arg1: i32, %arg2: memref<10240x128xf32, #tpu.memory_space<hbm>>, %arg3: memref<32x79x128xi32, #tpu.memory_space<hbm>>, %arg4: memref<32x79x128xi32, #tpu.memory_space<hbm>>, %arg5: memref<2x10240x128xf32, #tpu.memory_space<hbm>>, %arg6: memref<79x128xi32, #tpu.memory_space<vmem>>, %arg7: memref<79x128xi32, #tpu.memory_space<vmem>>, %arg8: memref<128xi32, #tpu.memory_space<vmem>>, %arg9: memref<128x128xf32, #tpu.memory_space<vmem>>, %arg10: memref<10240x128xf32, #tpu.memory_space<vmem_shared>>, %arg11: memref<!tpu.dma_semaphore, #tpu.memory_space<semaphore_mem>>) attributes {dimension_semantics = [#tpu.dimension_semantics<core_parallel>, #tpu.dimension_semantics<subcore_parallel>], iteration_bounds = array<i64: 2, 16>, scalar_prefetch = 0 : i64, scratch_operands = 6 : i64, tpu.core_type = #tpu.core_type<sc_vector_subcore>, window_params = [{transform_indices = #map}, {transform_indices = #map1}, {transform_indices = #map1}, {transform_indices = #map1}]} {
    %mul3A = arith.constant 2 : i32
    %mul3A_0 = arith.muli %arg1, %mul3A : i32
    %add3A = arith.addi %mul3A_0, %arg0 : i32
    "tpu.region"() ({
      %run_scoped3A = tpu.sem_alloc : memref<!tpu.dma_semaphore, #tpu.memory_space<semaphore_mem>>
      %dma_start3A = arith.constant 0 : i32
      %dma_start3A_20 = arith.constant 0 : i32
      %dma_start3A_21 = tpu.memref_slice %arg3[%add3A, %dma_start3A, %dma_start3A_20] : memref<32x79x128xi32, #tpu.memory_space<hbm>> -> memref<1x79x128xi32, #tpu.memory_space<hbm>>
      %dma_start3A_22 = tpu.memref_squeeze %dma_start3A_21 : memref<1x79x128xi32, #tpu.memory_space<hbm>> -> memref<79x128xi32, #tpu.memory_space<hbm>>
      %dma_start3A_23 = arith.constant 0 : i32
      %dma_start3A_24 = arith.constant 0 : i32
      %dma_start3A_25 = tpu.memref_slice %arg3[%add3A, %dma_start3A_23, %dma_start3A_24] : memref<32x79x128xi32, #tpu.memory_space<hbm>> -> memref<1x79x128xi32, #tpu.memory_space<hbm>>
      %dma_start3A_26 = tpu.memref_squeeze %dma_start3A_25 : memref<1x79x128xi32, #tpu.memory_space<hbm>> -> memref<79x128xi32, #tpu.memory_space<hbm>>
      tpu.enqueue_dma source(%dma_start3A_26 : memref<79x128xi32, #tpu.memory_space<hbm>>) target(%arg6 : memref<79x128xi32, #tpu.memory_space<vmem>>) target_semaphore(%run_scoped3A : memref<!tpu.dma_semaphore, #tpu.memory_space<semaphore_mem>>)
      %dma_wait3A = arith.constant 0 : i32
      %dma_wait3A_27 = arith.constant 0 : i32
      %dma_wait3A_28 = tpu.memref_slice %arg3[%add3A, %dma_wait3A, %dma_wait3A_27] : memref<32x79x128xi32, #tpu.memory_space<hbm>> -> memref<1x79x128xi32, #tpu.memory_space<hbm>>
      %dma_wait3A_29 = tpu.memref_squeeze %dma_wait3A_28 : memref<1x79x128xi32, #tpu.memory_space<hbm>> -> memref<79x128xi32, #tpu.memory_space<hbm>>
      %dma_wait3A_30 = arith.constant 0 : i32
      %dma_wait3A_31 = arith.constant 0 : i32
      %dma_wait3A_32 = tpu.memref_slice %arg3[%add3A, %dma_wait3A_30, %dma_wait3A_31] : memref<32x79x128xi32, #tpu.memory_space<hbm>> -> memref<1x79x128xi32, #tpu.memory_space<hbm>>
      %dma_wait3A_33 = tpu.memref_squeeze %dma_wait3A_32 : memref<1x79x128xi32, #tpu.memory_space<hbm>> -> memref<79x128xi32, #tpu.memory_space<hbm>>
      tpu.wait_dma2 semaphore(%run_scoped3A : memref<!tpu.dma_semaphore, #tpu.memory_space<semaphore_mem>>) src(%dma_wait3A_33 : memref<79x128xi32, #tpu.memory_space<hbm>>) dst(%arg6 : memref<79x128xi32, #tpu.memory_space<vmem>>)
      tpu.yield
    }) : () -> ()
    "tpu.region"() ({
      %run_scoped3A = tpu.sem_alloc : memref<!tpu.dma_semaphore, #tpu.memory_space<semaphore_mem>>
      %dma_start3A = arith.constant 0 : i32
      %dma_start3A_20 = arith.constant 0 : i32
      %dma_start3A_21 = tpu.memref_slice %arg4[%add3A, %dma_start3A, %dma_start3A_20] : memref<32x79x128xi32, #tpu.memory_space<hbm>> -> memref<1x79x128xi32, #tpu.memory_space<hbm>>
      %dma_start3A_22 = tpu.memref_squeeze %dma_start3A_21 : memref<1x79x128xi32, #tpu.memory_space<hbm>> -> memref<79x128xi32, #tpu.memory_space<hbm>>
      %dma_start3A_23 = arith.constant 0 : i32
      %dma_start3A_24 = arith.constant 0 : i32
      %dma_start3A_25 = tpu.memref_slice %arg4[%add3A, %dma_start3A_23, %dma_start3A_24] : memref<32x79x128xi32, #tpu.memory_space<hbm>> -> memref<1x79x128xi32, #tpu.memory_space<hbm>>
      %dma_start3A_26 = tpu.memref_squeeze %dma_start3A_25 : memref<1x79x128xi32, #tpu.memory_space<hbm>> -> memref<79x128xi32, #tpu.memory_space<hbm>>
      tpu.enqueue_dma source(%dma_start3A_26 : memref<79x128xi32, #tpu.memory_space<hbm>>) target(%arg7 : memref<79x128xi32, #tpu.memory_space<vmem>>) target_semaphore(%run_scoped3A : memref<!tpu.dma_semaphore, #tpu.memory_space<semaphore_mem>>)
      %dma_wait3A = arith.constant 0 : i32
      %dma_wait3A_27 = arith.constant 0 : i32
      %dma_wait3A_28 = tpu.memref_slice %arg4[%add3A, %dma_wait3A, %dma_wait3A_27] : memref<32x79x128xi32, #tpu.memory_space<hbm>> -> memref<1x79x128xi32, #tpu.memory_space<hbm>>
      %dma_wait3A_29 = tpu.memref_squeeze %dma_wait3A_28 : memref<1x79x128xi32, #tpu.memory_space<hbm>> -> memref<79x128xi32, #tpu.memory_space<hbm>>
      %dma_wait3A_30 = arith.constant 0 : i32
      %dma_wait3A_31 = arith.constant 0 : i32
      %dma_wait3A_32 = tpu.memref_slice %arg4[%add3A, %dma_wait3A_30, %dma_wait3A_31] : memref<32x79x128xi32, #tpu.memory_space<hbm>> -> memref<1x79x128xi32, #tpu.memory_space<hbm>>
      %dma_wait3A_33 = tpu.memref_squeeze %dma_wait3A_32 : memref<1x79x128xi32, #tpu.memory_space<hbm>> -> memref<79x128xi32, #tpu.memory_space<hbm>>
      tpu.wait_dma2 semaphore(%run_scoped3A : memref<!tpu.dma_semaphore, #tpu.memory_space<semaphore_mem>>) src(%dma_wait3A_33 : memref<79x128xi32, #tpu.memory_space<hbm>>) dst(%arg7 : memref<79x128xi32, #tpu.memory_space<vmem>>)
      tpu.yield
    }) : () -> ()
    %scan3A = arith.constant 0 : i32
    %scan3A_1 = arith.constant 128 : i32
    %scan3A_2 = arith.addi %scan3A, %scan3A_1 : i32
    %scan3A_3 = arith.constant 1 : i32
    scf.for %scan3A_20 = %scan3A to %scan3A_2 step %scan3A_3  : i32 {
      %mul3A_21 = arith.constant 1 : i32
      %mul3A_22 = arith.muli %scan3A_20, %mul3A_21 : i32
      %add3A_23 = arith.constant 0 : i32
      %add3A_24 = arith.addi %add3A_23, %mul3A_22 : i32
      %scan3A_25 = arith.constant 0 : i32
      %scan3A_26 = arith.constant 8 : i32
      %scan3A_27 = arith.addi %scan3A_25, %scan3A_26 : i32
      %scan3A_28 = arith.constant 1 : i32
      scf.for %scan3A_30 = %scan3A_25 to %scan3A_27 step %scan3A_28  : i32 {
        %mul3A_31 = arith.constant 16 : i32
        %mul3A_32 = arith.muli %scan3A_30, %mul3A_31 : i32
        %add3A_33 = arith.constant 0 : i32
        %add3A_34 = arith.addi %add3A_33, %mul3A_32 : i32
        %broadcast_in_dim3A = arith.constant 0.000000e+00 : f32
        %broadcast_in_dim3A_35 = vector.broadcast %broadcast_in_dim3A : f32 to vector<16xf32>
        %swap3A = arith.index_cast %add3A_24 : i32 to index
        %swap3A_36 = arith.index_cast %add3A_34 : i32 to index
        %swap3A_37 = tpu.vector_load %arg9[%swap3A, %swap3A_36] {strides = array<i32>} : memref<128x128xf32, #tpu.memory_space<vmem>>, vector<16xf32>,
        tpu.vector_store %arg9[%swap3A, %swap3A_36], %broadcast_in_dim3A_35 {strides = array<i32>} : memref<128x128xf32, #tpu.memory_space<vmem>>, vector<16xf32>,
      }
      %scan3A_29 = arith.constant 8 : i32
    }
    %scan3A_4 = arith.constant 128 : i32
    %scan3A_5 = arith.constant 0 : i32
    %scan3A_6 = arith.constant 5 : i32
    %scan3A_7 = arith.addi %scan3A_5, %scan3A_6 : i32
    %scan3A_8 = arith.constant 1 : i32
    scf.for %scan3A_20 = %scan3A_5 to %scan3A_7 step %scan3A_8  : i32 {
      %mul3A_21 = arith.constant 128 : i32
      %mul3A_22 = arith.muli %scan3A_20, %mul3A_21 : i32
      %add3A_23 = arith.constant 0 : i32
      %add3A_24 = arith.addi %add3A_23, %mul3A_22 : i32
      %mul3A_25 = arith.constant 640 : i32
      %mul3A_26 = arith.muli %arg1, %mul3A_25 : i32
      %add3A_27 = arith.addi %mul3A_26, %add3A_24 : i32
      "tpu.region"() ({
        %run_scoped3A = tpu.sem_alloc : memref<!tpu.dma_semaphore, #tpu.memory_space<semaphore_mem>>
        %dma_start3A = arith.constant 0 : i32
        %dma_start3A_28 = tpu.memref_slice %arg10[%add3A_27, %dma_start3A] : memref<10240x128xf32, #tpu.memory_space<vmem_shared>> -> memref<128x128xf32, #tpu.memory_space<vmem_shared>>
        %dma_start3A_29 = arith.constant 0 : i32
        %dma_start3A_30 = tpu.memref_slice %arg10[%add3A_27, %dma_start3A_29] : memref<10240x128xf32, #tpu.memory_space<vmem_shared>> -> memref<128x128xf32, #tpu.memory_space<vmem_shared>>
        tpu.enqueue_dma source(%arg9 : memref<128x128xf32, #tpu.memory_space<vmem>>) target(%dma_start3A_30 : memref<128x128xf32, #tpu.memory_space<vmem_shared>>) target_semaphore(%run_scoped3A : memref<!tpu.dma_semaphore, #tpu.memory_space<semaphore_mem>>)
        %dma_wait3A = arith.constant 0 : i32
        %dma_wait3A_31 = tpu.memref_slice %arg10[%add3A_27, %dma_wait3A] : memref<10240x128xf32, #tpu.memory_space<vmem_shared>> -> memref<128x128xf32, #tpu.memory_space<vmem_shared>>
        %dma_wait3A_32 = arith.constant 0 : i32
        %dma_wait3A_33 = tpu.memref_slice %arg10[%add3A_27, %dma_wait3A_32] : memref<10240x128xf32, #tpu.memory_space<vmem_shared>> -> memref<128x128xf32, #tpu.memory_space<vmem_shared>>
        tpu.wait_dma2 semaphore(%run_scoped3A : memref<!tpu.dma_semaphore, #tpu.memory_space<semaphore_mem>>) src(%arg9 : memref<128x128xf32, #tpu.memory_space<vmem>>) dst(%dma_wait3A_33 : memref<128x128xf32, #tpu.memory_space<vmem_shared>>)
        tpu.yield
      }) : () -> ()
    }
    %scan3A_9 = arith.constant 5 : i32
    %barrier3A = arith.constant 0 : index
    tpu.barrier barrier_id(%barrier3A)
    %scan3A_10 = arith.constant 0 : i32
    %scan3A_11 = arith.constant 79 : i32
    %scan3A_12 = arith.addi %scan3A_10, %scan3A_11 : i32
    %scan3A_13 = arith.constant 1 : i32
    scf.for %scan3A_20 = %scan3A_10 to %scan3A_12 step %scan3A_13  : i32 {
      %mul3A_21 = arith.constant 1 : i32
      %mul3A_22 = arith.muli %scan3A_20, %mul3A_21 : i32
      %add3A_23 = arith.constant 0 : i32
      %add3A_24 = arith.addi %add3A_23, %mul3A_22 : i32
      %dma_start3A = arith.constant 0 : i32
      %dma_start3A_25 = tpu.memref_slice %arg6[%add3A_24, %dma_start3A] : memref<79x128xi32, #tpu.memory_space<vmem>> -> memref<1x128xi32, #tpu.memory_space<vmem>>
      %dma_start3A_26 = tpu.memref_squeeze %dma_start3A_25 : memref<1x128xi32, #tpu.memory_space<vmem>> -> memref<128xi32, #tpu.memory_space<vmem>>
      %dma_start3A_27 = arith.constant 0 : i32
      %dma_start3A_28 = arith.constant 0 : i32
      %dma_start3A_29 = tpu.memref_slice %arg2[%dma_start3A_27, %dma_start3A_28] : memref<10240x128xf32, #tpu.memory_space<hbm>> -> memref<10240x128xf32, #tpu.memory_space<hbm>>
      tpu.enqueue_indirect_dma source(%dma_start3A_29 : memref<10240x128xf32, #tpu.memory_space<hbm>>) target(%arg9 : memref<128x128xf32, #tpu.memory_space<vmem>>) offsets(%dma_start3A_26 : memref<128xi32, #tpu.memory_space<vmem>>) semaphore(%arg11 : memref<!tpu.dma_semaphore, #tpu.memory_space<semaphore_mem>>)
      %dma_wait3A = arith.constant 0 : i32
      %dma_wait3A_30 = tpu.memref_slice %arg6[%add3A_24, %dma_wait3A] : memref<79x128xi32, #tpu.memory_space<vmem>> -> memref<1x128xi32, #tpu.memory_space<vmem>>
      %dma_wait3A_31 = tpu.memref_squeeze %dma_wait3A_30 : memref<1x128xi32, #tpu.memory_space<vmem>> -> memref<128xi32, #tpu.memory_space<vmem>>
      %dma_wait3A_32 = arith.constant 0 : i32
      %dma_wait3A_33 = arith.constant 0 : i32
      %dma_wait3A_34 = tpu.memref_slice %arg2[%dma_wait3A_32, %dma_wait3A_33] : memref<10240x128xf32, #tpu.memory_space<hbm>> -> memref<10240x128xf32, #tpu.memory_space<hbm>>
      tpu.wait_indirect_dma semaphore(%arg11 : memref<!tpu.dma_semaphore, #tpu.memory_space<semaphore_mem>>) src(%dma_wait3A_34 : memref<10240x128xf32, #tpu.memory_space<hbm>>) dst(%arg9 : memref<128x128xf32, #tpu.memory_space<vmem>>)
      "tpu.region"() ({
        %run_scoped3A = tpu.sem_alloc : memref<!tpu.dma_semaphore, #tpu.memory_space<semaphore_mem>>
        %dma_start3A_35 = arith.constant 0 : i32
        %dma_start3A_36 = tpu.memref_slice %arg7[%add3A_24, %dma_start3A_35] : memref<79x128xi32, #tpu.memory_space<vmem>> -> memref<1x128xi32, #tpu.memory_space<vmem>>
        %dma_start3A_37 = tpu.memref_squeeze %dma_start3A_36 : memref<1x128xi32, #tpu.memory_space<vmem>> -> memref<128xi32, #tpu.memory_space<vmem>>
        %dma_start3A_38 = arith.constant 0 : i32
        %dma_start3A_39 = arith.constant 0 : i32
        %dma_start3A_40 = tpu.memref_slice %arg10[%dma_start3A_38, %dma_start3A_39] : memref<10240x128xf32, #tpu.memory_space<vmem_shared>> -> memref<10240x128xf32, #tpu.memory_space<vmem_shared>>
        tpu.enqueue_indirect_dma source(%arg9 : memref<128x128xf32, #tpu.memory_space<vmem>>) target(%dma_start3A_40 : memref<10240x128xf32, #tpu.memory_space<vmem_shared>>) offsets(%dma_start3A_37 : memref<128xi32, #tpu.memory_space<vmem>>) semaphore(%run_scoped3A : memref<!tpu.dma_semaphore, #tpu.memory_space<semaphore_mem>>) {add = true}
        %dma_wait3A_41 = arith.constant 0 : i32
        %dma_wait3A_42 = tpu.memref_slice %arg7[%add3A_24, %dma_wait3A_41] : memref<79x128xi32, #tpu.memory_space<vmem>> -> memref<1x128xi32, #tpu.memory_space<vmem>>
        %dma_wait3A_43 = tpu.memref_squeeze %dma_wait3A_42 : memref<1x128xi32, #tpu.memory_space<vmem>> -> memref<128xi32, #tpu.memory_space<vmem>>
        %dma_wait3A_44 = arith.constant 0 : i32
        %dma_wait3A_45 = arith.constant 0 : i32
        %dma_wait3A_46 = tpu.memref_slice %arg10[%dma_wait3A_44, %dma_wait3A_45] : memref<10240x128xf32, #tpu.memory_space<vmem_shared>> -> memref<10240x128xf32, #tpu.memory_space<vmem_shared>>
        tpu.wait_indirect_dma semaphore(%run_scoped3A : memref<!tpu.dma_semaphore, #tpu.memory_space<semaphore_mem>>) src(%arg9 : memref<128x128xf32, #tpu.memory_space<vmem>>) dst(%dma_wait3A_46 : memref<10240x128xf32, #tpu.memory_space<vmem_shared>>)
        tpu.yield
      }) : () -> ()
    }
    %scan3A_14 = arith.constant 79 : i32
    %barrier3A_15 = arith.constant 0 : index
    tpu.barrier barrier_id(%barrier3A_15)
    %mul3A_16 = arith.constant 640 : i32
    %mul3A_17 = arith.muli %arg1, %mul3A_16 : i32
    %mul3A_18 = arith.constant 640 : i32
    %mul3A_19 = arith.muli %arg1, %mul3A_18 : i32
    "tpu.region"() ({
      %run_scoped3A = tpu.sem_alloc : memref<!tpu.dma_semaphore, #tpu.memory_space<semaphore_mem>>
      %dma_start3A = arith.constant 0 : i32
      %dma_start3A_20 = tpu.memref_slice %arg5[%arg0, %mul3A_19, %dma_start3A] : memref<2x10240x128xf32, #tpu.memory_space<hbm>> -> memref<1x640x128xf32, #tpu.memory_space<hbm>>
      %dma_start3A_21 = tpu.memref_squeeze %dma_start3A_20 : memref<1x640x128xf32, #tpu.memory_space<hbm>> -> memref<640x128xf32, #tpu.memory_space<hbm>>
      %dma_start3A_22 = arith.constant 0 : i32
      %dma_start3A_23 = tpu.memref_slice %arg10[%mul3A_17, %dma_start3A_22] : memref<10240x128xf32, #tpu.memory_space<vmem_shared>> -> memref<640x128xf32, #tpu.memory_space<vmem_shared>>
      tpu.enqueue_dma source(%dma_start3A_23 : memref<640x128xf32, #tpu.memory_space<vmem_shared>>) target(%dma_start3A_21 : memref<640x128xf32, #tpu.memory_space<hbm>>) target_semaphore(%run_scoped3A : memref<!tpu.dma_semaphore, #tpu.memory_space<semaphore_mem>>)
      %dma_wait3A = arith.constant 0 : i32
      %dma_wait3A_24 = tpu.memref_slice %arg5[%arg0, %mul3A_19, %dma_wait3A] : memref<2x10240x128xf32, #tpu.memory_space<hbm>> -> memref<1x640x128xf32, #tpu.memory_space<hbm>>
      %dma_wait3A_25 = tpu.memref_squeeze %dma_wait3A_24 : memref<1x640x128xf32, #tpu.memory_space<hbm>> -> memref<640x128xf32, #tpu.memory_space<hbm>>
      %dma_wait3A_26 = arith.constant 0 : i32
      %dma_wait3A_27 = tpu.memref_slice %arg10[%mul3A_17, %dma_wait3A_26] : memref<10240x128xf32, #tpu.memory_space<vmem_shared>> -> memref<640x128xf32, #tpu.memory_space<vmem_shared>>
      tpu.wait_dma2 semaphore(%run_scoped3A : memref<!tpu.dma_semaphore, #tpu.memory_space<semaphore_mem>>) src(%dma_wait3A_27 : memref<640x128xf32, #tpu.memory_space<vmem_shared>>) dst(%dma_wait3A_25 : memref<640x128xf32, #tpu.memory_space<hbm>>)
      tpu.yield
    }) : () -> ()
    return
  }
}

module attributes {stable_mosaic.version = 14 : i64} {
  func.func @body(%arg0: i32, %arg1: memref<2x1024x128xf32, #tpu.memory_space<vmem>>, %arg2: memref<128x128xf32, #tpu.memory_space<vmem>>, %arg3: memref<1x128xf32, #tpu.memory_space<vmem>>, %arg4: memref<1024x128xf32, #tpu.memory_space<vmem>>) attributes {dimension_semantics = [#tpu.dimension_semantics<arbitrary>], iteration_bounds = array<i64: 10>, scalar_prefetch = 0 : i64, scratch_operands = 0 : i64, tpu.core_type = #tpu.core_type<tc>, window_params = [{transform_indices = @transform_0, window_bounds = array<i64: 2, 1024, 128>}, {pipeline_mode = #tpu.pipeline_mode<synchronous>, transform_indices = @transform_1, window_bounds = array<i64: 128, 128>}, {pipeline_mode = #tpu.pipeline_mode<synchronous>, transform_indices = @transform_2, window_bounds = array<i64: 1, 128>}, {transform_indices = @transform_3, window_bounds = array<i64: 1024, 128>}]} {
    %get3A = arith.constant 0 : index
    %get3A_0 = arith.constant 0 : index
    %get3A_1 = arith.constant 0 : index
    %get3A_2 = vector.load %arg1[%get3A, %get3A_0, %get3A_1] : memref<2x1024x128xf32, #tpu.memory_space<vmem>>, vector<1x1024x128xf32>
    %get3A_3 = vector.shape_cast %get3A_2 : vector<1x1024x128xf32> to vector<1024x128xf32>
    %get3A_4 = arith.constant 1 : index
    %get3A_5 = arith.constant 0 : index
    %get3A_6 = arith.constant 0 : index
    %get3A_7 = vector.load %arg1[%get3A_4, %get3A_5, %get3A_6] : memref<2x1024x128xf32, #tpu.memory_space<vmem>>, vector<1x1024x128xf32>
    %get3A_8 = vector.shape_cast %get3A_7 : vector<1x1024x128xf32> to vector<1024x128xf32>
    %add3A = arith.addf %get3A_3, %get3A_8 : vector<1024x128xf32>
    %get3A_9 = arith.constant 0 : index
    %get3A_10 = arith.constant 0 : index
    %get3A_11 = vector.load %arg2[%get3A_9, %get3A_10] : memref<128x128xf32, #tpu.memory_space<vmem>>, vector<128x128xf32>
    %dot_general3A = arith.constant dense<0.000000e+00> : vector<1024x128xf32>
    %dot_general3A_12 = tpu.matmul %add3A, %get3A_11, %dot_general3A {dimension_numbers = #tpu.dot_dimension_numbers<[1], [1], [0], [0], [0, 0, 1, 0], [], []>, transpose_lhs_hint = false} : vector<1024x128xf32>, vector<128x128xf32>, vector<1024x128xf32> -> vector<1024x128xf32>
    %get3A_13 = arith.constant 0 : index
    %get3A_14 = arith.constant 0 : index
    %get3A_15 = vector.load %arg3[%get3A_13, %get3A_14] : memref<1x128xf32, #tpu.memory_space<vmem>>, vector<1x128xf32>
    %add3A_16 = vector.broadcast %get3A_15 : vector<1x128xf32> to vector<1024x128xf32>
    %add3A_17 = arith.addf %dot_general3A_12, %add3A_16 : vector<1024x128xf32>
    %max3A = arith.constant 0.000000e+00 : f32
    %max3A_18 = vector.broadcast %max3A : f32 to vector<1024x128xf32>
    %max3A_19 = arith.maximumf %add3A_17, %max3A_18 : vector<1024x128xf32>
    %swap3A = arith.constant 0 : index
    %swap3A_20 = arith.constant 0 : index
    %swap3A_21 = vector.load %arg4[%swap3A, %swap3A_20] : memref<1024x128xf32, #tpu.memory_space<vmem>>, vector<1024x128xf32>
    tpu.vector_store %arg4[%swap3A, %swap3A_20], %max3A_19 {strides = array<i32>} : memref<1024x128xf32, #tpu.memory_space<vmem>>, vector<1024x128xf32>,
    return
  }
  func.func @transform_0(%arg0: i32) -> (i32, i32, i32) {
    %c0_i32 = arith.constant 0 : i32
    %c0_i32_0 = arith.constant 0 : i32
    %c0_i32_1 = arith.constant 0 : i32
    return %c0_i32, %arg0, %c0_i32_0 : i32, i32, i32
  }
  func.func @transform_1(%arg0: i32) -> (i32, i32) {
    %c0_i32 = arith.constant 0 : i32
    %c0_i32_0 = arith.constant 0 : i32
    %c0_i32_1 = arith.constant 0 : i32
    return %c0_i32, %c0_i32_0 : i32, i32
  }
  func.func @transform_2(%arg0: i32) -> (i32, i32) {
    %c0_i32 = arith.constant 0 : i32
    %c0_i32_0 = arith.constant 0 : i32
    %c0_i32_1 = arith.constant 0 : i32
    return %c0_i32, %c0_i32_0 : i32, i32
  }
  func.func @transform_3(%arg0: i32) -> (i32, i32) {
    %c0_i32 = arith.constant 0 : i32
    %c0_i32_0 = arith.constant 0 : i32
    return %arg0, %c0_i32 : i32, i32
  }
}

</mosaic_0001>

<sc_bundles>
// kernel: kernel.6.cloned.1.call-start
scs
__scs_entry_jumppad:
0x0: {  	(pc) =	sbr.rel $0x88, $3  }
0x1: {  	(tag) =	ssettag $0x0;
	lr =	simm.s32 $0x1  }
0x2: {  	[smem:$0x3F9A] =	sst lr;
	_ =	strace $0xD0000000  }
0x3: {  	_ = 	snop  }
0x4: {  	_ = 	snop  }
0x5: {  	_ = 	snop  }
0x6: {  	_ = 	snop  }
0x7: {  	_ = 	snop  }
__scs_overlays_trampoline_lowered:
0x8: {  	[smem:$0x3FA9] =	sst s0  }
0x9: {  	[smem:$0x3FAA] =	sst s1  }
0xa: {  	[smem:$0x3FAB] =	sst s2  }
0xb: {  	[smem:$0x3FAC] =	sst s3  }
0xc: {  	[smem:$0x3FAD] =	sst s4  }
0xd: {  	[smem:$0x3FAE] =	sst s5  }
0xe: {  	[smem:$0x3FAF] =	sst s6  }
0xf: {  	[smem:$0x3FB0] =	sst s7  }
0x10: {  	[smem:$0x3FB1] =	sst s8  }
0x11: {  	[smem:$0x3FB2] =	sst s9;
	s0 =	simm.s32 @!p0 $0x0  }
0x12: {  	s1 =	sld [smem:$0x3F98];
	s0 =	simm.s32 @p0 $0x1  }
0x13: {  	[smem:$0x3FB3] =	sst s0;
	s0 =	simm.s32 @!p1 $0x0  }
0x14: {  	s2 =	sld [smem:$0x3F97];
	s0 =	simm.s32 @p1 $0x1  }
0x15: {  	[smem:$0x3FB4] =	sst s0;
	s0 =	simm.s32 @!p2 $0x0  }
0x16: {  	s3 =	sld [smem:$0x3FDB];
	s0 =	simm.s32 @p2 $0x1  }
0x17: {  	s4 =	simm.s32 $0x1BF5;
	[smem:$0x3FB6] =	sst s0  }
0x18: {  	s0 =	sld [smem:$0x3F99];
	_ =	swait.ge [sflag:s4], $0x0  }
0x19: {  	s7 =	sld [smem:$0x3F9A]  }
0x1a: {  	s8 =	sadd.s32 $0xFFFFE003, lr  }
0x1b: {  	s9 =	sadd.s32 $0xFFFFFEF7, lr;
	s5 =	simm.s32 $0xFFFFFFFF;
	p2 =	slt.u32 s8, $0xFFFFF086  }
0x1c: {  	p1 =	slt.u32 s9, $0xF7A;
	s5 =	simm.s32 @!p2 $0x0  }
0x1d: {  	s5 =	simm.s32 @p1 $0x1;
	p0 =	seq.s32 s7, s2  }
0x1e: {  	s7 =	smul.u32 @!p0 $0xF7A, s2;
	p2 =	seq.s32 @!p0 s5, $0x0  }
0x1f: {  	s9 =	smul.u32 $0xF7A, s1;
	s8 =	simm.s32 @!p0 $0x1BF5;
	p2 =	por !p2, p0  }
0x20: {  	[sflag:s8] =	ssyncset.s32 @!p0 $0xFFFFF086;
	s6 =	sadd.s32 @!p0 s3, s7;
	s7 =	simm.s32 @!p0 $0x108  }
0x21: {  	s3 =	sadd.s32 s3, s9;
	s6 =	sadd.s32 @!p0 $0x88, s6;
	s7 =	simm.s32 @p2 $0x1082  }
0x22: {  	[simem:s7], [sflag:s8] =	dma.local @!p0 [hbm:s6], $0xF7A  }
0x23: {  	s9 =	sor.u32 $0xD0000000, s2;
	s6 =	simm.s32 $0x108;
	_ =	swait.ge @!p0 [sflag:s8], $0x0  }
0x24: {  	s3 =	sadd.s32 $0x88, s3;
	s6 =	simm.s32 @!p1 $0x1082;
	[sflag:s4] =	ssyncset.s32 $0xFFFFF086  }
0x25: {  	[simem:s6], [sflag:s4] =	dma.local [hbm:s3], $0xF7A  }
0x26: {  	[smem:$0x3F9A] =	sst s1;
	(tag) =	ssettag s2;
	_ =	strace s9  }
0x27: {  	s1 =	sld [smem:$0x3FAA]  }
0x28: {  	s2 =	sld [smem:$0x3FAB]  }
0x29: {  	s4 =	sld [smem:$0x3FAD]  }
0x2a: {  	p0 =	seq.s32 s5, $0x0;
	s5 =	sld [smem:$0x3FAE]  }
0x2b: {  	s6 =	sld [smem:$0x3FAF]  }
0x2c: {  	s7 =	sld [smem:$0x3FB0]  }
0x2d: {  	s3 =	simm.s32 $0x108;
	s8 =	sld [smem:$0x3FB1]  }
0x2e: {  	s3 =	simm.s32 @!p0 $0x1082;
	s9 =	sld [smem:$0x3FB2]  }
0x2f: {  	lr =	sadd.s32 s0, s3;
	s0 =	sld [smem:$0x3FA9]  }
0x30: {  	s3 =	sld [smem:$0x3FAC]  }
0x31: {  	[smem:$0x3FB5] =	sst s10  }
0x32: {  	s10 =	sld [smem:$0x3FB3];
	_ =	sdelay $0x3  }
0x33: {  	p0 =	seq.s32 s10, $0x1;
	s10 =	sld [smem:$0x3FB5];
	_ =	sdelay $0x3  }
0x34: {  	[smem:$0x3FB5] =	sst s10  }
0x35: {  	s10 =	sld [smem:$0x3FB4];
	_ =	sdelay $0x3  }
0x36: {  	p1 =	seq.s32 s10, $0x1;
	s10 =	sld [smem:$0x3FB5];
	_ =	sdelay $0x3  }
0x37: {  	[smem:$0x3FB5] =	sst s10  }
0x38: {  	s10 =	sld [smem:$0x3FB6]  }
0x39: {  	_ = 	snop;
	(pc) =	sbr.ind lr, $3  }
0x3a: {  	_ = 	snop  }
0x3b: {  	_ = 	snop  }
0x3c: {  	p2 =	seq.s32 s10, $0x1;
	s10 =	sld [smem:$0x3FB5]  }
0x3d: {  	_ =	shalt  }
0x3e: {  	_ =	shalt  }
0x3f: {  	_ =	shalt  }
0x40: {  	_ =	shalt  }
0x41: {  	_ =	shalt  }
0x42: {  	_ =	shalt  }
0x43: {  	_ =	shalt  }
0x44: {  	_ =	shalt  }
0x45: {  	_ =	shalt  }
0x46: {  	_ =	shalt  }
0x47: {  	_ =	shalt  }
0x48: {  	_ =	shalt  }
0x49: {  	_ =	shalt  }
0x4a: {  	_ =	shalt  }
0x4b: {  	_ =	shalt  }
0x4c: {  	_ =	shalt  }
0x4d: {  	_ =	shalt  }
0x4e: {  	_ =	shalt  }
0x4f: {  	_ =	shalt  }
0x50: {  	_ =	shalt  }
0x51: {  	_ =	shalt  }
0x52: {  	_ =	shalt  }
0x53: {  	_ =	shalt  }
0x54: {  	_ =	shalt  }
0x55: {  	_ =	shalt  }
0x56: {  	_ =	shalt  }
0x57: {  	_ =	shalt  }
0x58: {  	_ =	shalt  }
0x59: {  	_ =	shalt  }
0x5a: {  	_ =	shalt  }
0x5b: {  	_ =	shalt  }
0x5c: {  	_ =	shalt  }
0x5d: {  	_ =	shalt  }
0x5e: {  	_ =	shalt  }
0x5f: {  	_ =	shalt  }
0x60: {  	_ =	shalt  }
0x61: {  	_ =	shalt  }
0x62: {  	_ =	shalt  }
0x63: {  	_ =	shalt  }
0x64: {  	_ =	shalt  }
0x65: {  	_ =	shalt  }
0x66: {  	_ =	shalt  }
0x67: {  	_ =	shalt  }
0x68: {  	_ =	shalt  }
0x69: {  	_ =	shalt  }
0x6a: {  	_ =	shalt  }
0x6b: {  	_ =	shalt  }
0x6c: {  	_ =	shalt  }
0x6d: {  	_ =	shalt  }
0x6e: {  	_ =	shalt  }
0x6f: {  	_ =	shalt  }
0x70: {  	_ =	shalt  }
0x71: {  	_ =	shalt  }
0x72: {  	_ =	shalt  }
0x73: {  	_ =	shalt  }
0x74: {  	_ =	shalt  }
0x75: {  	_ =	shalt  }
0x76: {  	_ =	shalt  }
0x77: {  	_ =	shalt  }
0x78: {  	_ =	shalt  }
0x79: {  	_ =	shalt  }
0x7a: {  	_ =	shalt  }
0x7b: {  	_ =	shalt  }
0x7c: {  	_ =	shalt  }
0x7d: {  	_ =	shalt  }
0x7e: {  	_ =	shalt  }
0x7f: {  	_ =	shalt  }
0x80: {  	_ =	shalt  }
0x81: {  	_ =	shalt  }
0x82: {  	_ =	shalt  }
0x83: {  	_ =	shalt  }
0x84: {  	_ =	shalt  }
0x85: {  	_ =	shalt  }
0x86: {  	_ =	shalt  }
0x87: {  	_ =	shalt  }
.Lfunc_end0:
.L_simem_size_0:
called_computation_lowered:
.L_overlay_start_0:
0x88: {  	s2 =	sld [smem:$0x3FD9]  }
0x89: {  	s3 =	sld [smem:$0x3FFE];
	_ =	sdelay $0x1  }
0x8a: {  	s1 =	srdreg.scid  }
0x8b: {  	s0 =	sand.u32 $0x1, s1  }
0x8c: {  	s17 =	sshll.u32 s0, $0xA;
	s2 =	sadd.s32 s3, s2  }
0x8d: {  	s2 =	sadd.s32 s2, s17  }
0x8e: {  	[smem:$0x3FC1] =	sst s2  }
0x8f: {  	_ = 	snop  }
0x90: {  	s2 =	sld [smem:$0x3FC9]  }
0x91: {  	s18 =	sld [smem:$0x3FC7]  }
0x92: {  	s4 =	sld [smem:$0x3FD0];
	(tm) =	ssettm $0x1  }
0x93: {  	s5 =	sld [smem:$0x3FFB];
	_ =	sdelay $0x3  }
0x94: {  	_ =	strace s5  }
0x95: {  	s5 =	sld [smem:$0x3FFC];
	_ =	sdelay $0x3  }
0x96: {  	_ =	strace s5  }
0x97: {  	s5 =	sld [smem:$0x3FFD];
	_ =	sdelay $0x3  }
0x98: {  	_ =	strace s5  }
0x99: {  	_ =	strace $0x8FFFFFFF  }
0x9a: {  	s19 =	sld [smem:$0x3FDB];
	_ =	sdelay $0x1  }
0x9b: {  	s6 =	simm.s32 $_scs_section_size  }
0x9c: {  	s7 =	simm.s32 $_size__tile_overlayer_lowered;
	s8 =	simm.s32 $_tile_overlayer_lowered  }
0x9d: {  	s22 =	simm.s32 $0x1BFF;
	s21 =	sshll.u32 s8, $0x1;
	s5 =	sadd.s32 s6, s19  }
0x9e: {  	s9 =	simm.s32 $0x0;
	s20 =	sshll.u32 s7, $0x1;
	s7 =	sadd.s32 s21, s5  }
0x9f: {  	[timem:s9], [sflag:s22] =	dma.local [hbm:s7], s20  }
0xa0: {  	_ =	swait.ge [sflag:s22], s20  }
0xa1: {  	s6 =	ssub.s32 $0x0, s20;
	[sflag:s22] =	ssyncset.done $0x0  }
0xa2: {  	[sflag:s22] =	ssyncadd.s32 s6;
	_ =	sdelay $0x1  }
0xa3: {  	s23 =	simm.s32 $0x1B8B  }
0xa4: {  	_ =	swait.ge [sflag:s23], $0x1  }
0xa5: {  	[sflag:s23] =	ssyncset.done $0x0  }
0xa6: {  	s25 =	simm.s32 $0x1B8E;
	s24 =	sld [smem:$0x3FFE];
	[sflag:s23] =	ssyncadd.s32 $0xFFFFFFFF  }
0xa7: {  	s26 =	simm.s32 $execute0_lowered;
	[smem:$0x3FD2] =	sst s25  }
0xa8: {  	s7 =	sshll.u32 s26, $0x1;
	_ =	strace $0x80000046;
	[dreg:$0x1] =	wrdreg $0xFFFFFFFF  }
0xa9: {  	s28 =	simm.s32 $_size_execute0_lowered;
	s5 =	sadd.s32 s5, s7;
	[dreg:$0x0] =	wrdreg $0x0  }
0xaa: {  	s7 =	sshll.u32 s28, $0x1;
	[dreg:$0x2] =	wrdreg s5  }
0xab: {  	[dreg:$0x3] =	wrdreg s7  }
0xac: {  	[dreg:$0x4] =	wrdreg $0xC0  }
0xad: {  	_ =	task [dreg:s9], $0x5FFFF  }
0xae: {  	[dreg:$0x1] =	wrdreg $0xFFFFFFFF  }
0xaf: {  	[dreg:$0x0] =	wrdreg $0x60  }
0xb0: {  	[dreg:$0x2] =	wrdreg s18  }
0xb1: {  	[dreg:$0x3] =	wrdreg s4  }
0xb2: {  	[dreg:$0x4] =	wrdreg s24  }
0xb3: {  	[dreg:$0x5] =	wrdreg s2  }
0xb4: {  	[dreg:$0x6] =	wrdreg $0xB8000  }
0xb5: {  	[dreg:$0x7] =	wrdreg $0x9  }
0xb6: {  	_ =	task.clear_ibuf [dreg:s9], $0x8FFFF;
	_ =	strace $0x90000046  }
0xb7: {  	s29 =	simm.s32 $0x9;
	_ =	strace $0x80000048  }
0xb8: {  	_ =	swait.ge [sflag:s29], $0x1  }
0xb9: {  	[sflag:s29] =	ssyncadd.s32 $0xFFFFFFFF  }
0xba: {  	_ =	strace $0x90000048  }
0xbb: {  	_ =	sfence  }
0xbc: {  	s30 =	sld [smem:$0x0];
	_ =	sdelay $0x2  }
0xbd: {  	s31 =	sshll.u32 s1, $0xD;
	s1 =	sshrl.u32 s1, $0x2  }
0xbe: {  	s3 =	sand.u32 $0x4000, s31;
	s1 =	sadd.s32 s1, s30  }
0xbf: {  	s0 =	sor.u32 s3, s0;
	s1 =	sshll.u32 s1, $0x11  }
0xc0: {  	s0 =	sor.u32 s1, s0  }
0xc1: {  	s0 =	sadd.s32 $0x8F2B, s0  }
0xc2: {  	[sflag:s0] =	ssyncadd.remote.s32 $0x1  }
0xc3: {  	_ =	sfence.sel $0xFFFF  }
0xc4: {  	[dreg:$0x0] =	wrdreg $0xFFFFFFFF;
	(pc) =	sbr.abs _section_cstart, $3  }
0xc5: {  	[dreg:$0x1] =	wrdreg $0xFFFFFFFF  }
0xc6: {  	_ =	task.clear_ibuf [dreg:s9], $0x2FFFF;
	_ =	strace $0x9FFFFFFF  }
0xc7: {  	(tm) =	ssettm $0x7FFFFFFF  }
tec
execute0_lowered:
.L_overlay_start_1:
0x0: {  	(tag) =	ssettag $0x1  }
0x1: {  	s1 =	rddreg [dreg:$0x0]  }
0x2: {  	s6 =	rddreg [dreg:$0x1]  }
0x3: {  	s7 =	rddreg [dreg:$0x2]  }
0x4: {  	s2 =	rddreg [dreg:$0x3]  }
0x5: {  	s3 =	rddreg [dreg:$0x4]  }
0x6: {  	s4 =	srdreg.scid;
	s0 =	rddreg [dreg:$0x5]  }
0x7: {  	s5 =	simm.s32 $0x0;
	s15 =	simm.s32 $0x2780;
	s16 =	simm.s32 $0x2  }
0x8: {  	s17 =	simm.s32 $0x4F80;
	s18 =	simm.s32 $0x7800;
	s19 =	simm.s32 $0x80  }
0x9: {  	s20 =	simm.s32 $0x7780;
	s21 =	simm.s32 $0x1;
	s8 =	sand.u32 $0x1, s4  }
0xa: {  	s24 =	simm.s32 $0x0;
	s4 =	stileid.u32;
	s9 =	smul.u32 $0x140000, s8  }
0xb: {  	[smem:$0x7FF] =	sst s5;
	s10 =	sshll.u32 s4, $0x1;
	s11 =	smul.u32 $0x14000, s4  }
0xc: {  	_ =	strace $0x80000047;
	s12 =	smul.u32 $0x50000, s4;
	s22 =	sshll.u32 s4, $0x6  }
0xd: {  	s10 =	sor.u32 s8, s10;
	s8 =	ssub.s32 $0x2, s8;
	s22 =	sor.u32 $0x1C02, s22  }
0xe: {  	s10 =	smul.u32 $0x500, s10;
	s9 =	sadd.s32 s11, s9;
	s30 =	sshrl.u32 s8, $0x1  }
0xf: {  	s31 =	sshrl.u32 s12, $0x2;
	s9 =	sshrl.u32 s9, $0x3;
	s11 =	ssub.s32 s8, s30  }
0x10: {  	s8 =	sadd.s32 s31, s3;
	s13 =	sadd.s32 s10, s7;
	s9 =	sadd.s32 s9, s7  }
0x11: {  	s6 =	sadd.s32 s6, s10;
	s10 =	smax.u32 s11, $0x1;
	s11 =	sadd.s32 $0x4000, s8  }
0x12: {  	s12 =	sadd.s32 $0x8000, s8;
	s14 =	sadd.s32 $0x10000, s8;
	s23 =	sshrl.u32 s8, $0x3  }
0x13: {  	v0 =	vimm.f32 $0.0e+00;
	s7 =	sadd.s32 $0xE00, s13;
	s9 =	sadd.s32 $0xAE00, s9;
	s13 =	sadd.s32 $0xC000, s8  }
.LBB2_1:
0x14: {  	[tilespmem:s15], [sflag:$0x2] =	stream.linear.gather [hbm4b:s6+s5], $0x2780, $0x38;
	[tilespmem:$0x1F800] =	vst v63  }
0x15: {  	_ =	swait.ge [sflag:s16], $0x2780  }
0x16: {  	[sflag:s16] =	ssyncset.done $0x0  }
0x17: {  	[sflag:s16] =	ssyncadd.s32 $0xFFFFD880  }
0x18: {  	[tilespmem:s17], [sflag:$0x2] =	stream.linear.gather [hbm4b:s7+s5], $0x2780, $0x38;
	[tilespmem:$0x1F800] =	vst v63  }
0x19: {  	_ =	swait.ge [sflag:s16], $0x2780  }
0x1a: {  	[sflag:s16] =	ssyncset.done $0x0  }
0x1b: {  	[sflag:s16] =	ssyncadd.s32 $0xFFFFD880  }
0x1c: {  	[tilespmem:s5], [sflag:$0x2] =	stream.linear.gather [hbm4b:s2+s5], $0x2780, $0x38;
	[tilespmem:$0x1F800] =	vst v63  }
0x1d: {  	_ =	swait.ge [sflag:s16], $0x2780  }
0x1e: {  	[sflag:s16] =	ssyncset.done $0x0  }
0x1f: {  	s25 =	simm.s32 $0x0;
	s26 =	simm.s32 $0x200;
	[sflag:s16] =	ssyncadd.s32 $0xFFFFD880  }
.LBB2_2:
0x20: {  	p0 =	sne.s32 s26, $0xFE00;
	[tilespmem:s25+$0x7870] =	vst v0  }
0x21: {  	[tilespmem:s25+$0x7800] =	vst v0  }
0x22: {  	[tilespmem:s25+$0x7810] =	vst v0  }
.Ltmp0:
0x23: {  	[tilespmem:s25+$0x7820] =	vst v0;
	(pc) =	sbr.rel @p0 .LBB2_2-.Ltmp0, $4  }
0x24: {  	[tilespmem:s25+$0x7830] =	vst v0  }
0x25: {  	[tilespmem:s25+$0x7840] =	vst v0  }
0x26: {  	[tilespmem:s25+$0x7850] =	vst v0  }
0x27: {  	[tilespmem:s25+$0x7860] =	vst v0;
	s25 =	sshra.s32 s26, $0x2;
	s26 =	sadd.s32 $0x200, s26  }
0x28: {  	[tilespmem:s25+$0x7870] =	vst v0  }
0x29: {  	[tilespmem:s25+$0x7800] =	vst v0  }
0x2a: {  	[tilespmem:s25+$0x7810] =	vst v0  }
0x2b: {  	[tilespmem:s25+$0x7820] =	vst v0  }
0x2c: {  	[tilespmem:s25+$0x7830] =	vst v0  }
0x2d: {  	[tilespmem:s25+$0x7840] =	vst v0  }
0x2e: {  	[tilespmem:s25+$0x7850] =	vst v0  }
0x2f: {  	[tilespmem:s25+$0x7860] =	vst v0  }
0x30: {  	[spmem:s8] =	stream.linear.scatter [tilespmem:s18], [sflag:$0x2], $0x4000, $0x38;
	[tilespmem:$0x1F800] =	vst v63  }
0x31: {  	_ =	swait.ge [sflag:s16], $0x4000  }
0x32: {  	[sflag:s16] =	ssyncset.done $0x0  }
0x33: {  	[sflag:s16] =	ssyncadd.s32 $0xFFFFC000  }
0x34: {  	[spmem:s11] =	stream.linear.scatter [tilespmem:s18], [sflag:$0x2], $0x4000, $0x38;
	[tilespmem:$0x1F800] =	vst v63  }
0x35: {  	_ =	swait.ge [sflag:s16], $0x4000  }
0x36: {  	[sflag:s16] =	ssyncset.done $0x0  }
0x37: {  	[sflag:s16] =	ssyncadd.s32 $0xFFFFC000  }
0x38: {  	[spmem:s12] =	stream.linear.scatter [tilespmem:s18], [sflag:$0x2], $0x4000, $0x38;
	[tilespmem:$0x1F800] =	vst v63  }
0x39: {  	_ =	swait.ge [sflag:s16], $0x4000  }
0x3a: {  	[sflag:s16] =	ssyncset.done $0x0  }
0x3b: {  	[sflag:s16] =	ssyncadd.s32 $0xFFFFC000  }
0x3c: {  	[spmem:s13] =	stream.linear.scatter [tilespmem:s18], [sflag:$0x2], $0x4000, $0x38;
	[tilespmem:$0x1F800] =	vst v63  }
0x3d: {  	_ =	swait.ge [sflag:s16], $0x4000  }
0x3e: {  	[sflag:s16] =	ssyncset.done $0x0  }
0x3f: {  	[sflag:s16] =	ssyncadd.s32 $0xFFFFC000  }
0x40: {  	[spmem:s14] =	stream.linear.scatter [tilespmem:s18], [sflag:$0x2], $0x4000, $0x38;
	[tilespmem:$0x1F800] =	vst v63  }
0x41: {  	_ =	swait.ge [sflag:s16], $0x4000  }
0x42: {  	[sflag:s16] =	ssyncset.done $0x0  }
0x43: {  	[sflag:s16] =	ssyncadd.s32 $0xFFFFC000  }
0x44: {  	s25 =	simm.s32 $0x0;
	[bflag:$0x0] =	sbarrier.arrive $0xFFFF  }
.LBB2_4:
0x45: {  	s26 =	sshra.s32 s25, $0x2  }
0x46: {  	v1 =	vld [tilespmem:s26+$0x2780];
	_ =	sdelay $0x7  }
0x47: {  	v1 =	vld.idx.msk [tilespmem:v1+s5+$0x0], $0xffff;
	_ =	sdelay $0x4  }
0x48: {  	[tilespmem:$0x7780] =	vst v1  }
0x49: {  	v1 =	vld [tilespmem:s26+$0x2790];
	_ =	sdelay $0x7  }
0x4a: {  	v1 =	vld.idx.msk [tilespmem:v1+s5+$0x0], $0xffff;
	_ =	sdelay $0x4  }
0x4b: {  	[tilespmem:$0x7790] =	vst v1  }
0x4c: {  	v1 =	vld [tilespmem:s26+$0x27A0];
	_ =	sdelay $0x7  }
0x4d: {  	v1 =	vld.idx.msk [tilespmem:v1+s5+$0x0], $0xffff;
	_ =	sdelay $0x4  }
0x4e: {  	[tilespmem:$0x77A0] =	vst v1  }
0x4f: {  	v1 =	vld [tilespmem:s26+$0x27B0];
	_ =	sdelay $0x7  }
0x50: {  	v1 =	vld.idx.msk [tilespmem:v1+s5+$0x0], $0xffff;
	_ =	sdelay $0x4  }
0x51: {  	[tilespmem:$0x77B0] =	vst v1  }
0x52: {  	v1 =	vld [tilespmem:s26+$0x27C0];
	_ =	sdelay $0x7  }
0x53: {  	v1 =	vld.idx.msk [tilespmem:v1+s5+$0x0], $0xffff;
	_ =	sdelay $0x4  }
0x54: {  	[tilespmem:$0x77C0] =	vst v1  }
0x55: {  	v1 =	vld [tilespmem:s26+$0x27D0];
	_ =	sdelay $0x7  }
0x56: {  	v1 =	vld.idx.msk [tilespmem:v1+s5+$0x0], $0xffff;
	_ =	sdelay $0x4  }
0x57: {  	[tilespmem:$0x77D0] =	vst v1  }
0x58: {  	v1 =	vld [tilespmem:s26+$0x27E0];
	_ =	sdelay $0x7  }
0x59: {  	v1 =	vld.idx.msk [tilespmem:v1+s5+$0x0], $0xffff;
	_ =	sdelay $0x4  }
0x5a: {  	[tilespmem:$0x77E0] =	vst v1  }
0x5b: {  	v1 =	vld [tilespmem:s26+$0x27F0];
	_ =	sdelay $0x7  }
0x5c: {  	v1 =	vld.idx.msk [tilespmem:v1+s5+$0x0], $0xffff;
	_ =	sdelay $0x4  }
0x5d: {  	[tilespmem:$0x77F0] =	vst v1  }
0x5e: {  	[tilespmem:s18], [sflag:$0x1] =	stream.indirect.gather [hbm4b:s1+s19], $0x80, s20, s19, $0xb8;
	[tilespmem:$0x1F800] =	vst v63  }
0x5f: {  	_ =	swait.ge [sflag:s21], $0x4000  }
0x60: {  	p0 =	sne.s32 s25, $0x9C00;
	[sflag:s21] =	ssyncset.done $0x0  }
.Ltmp1:
0x61: {  	s26 =	sadd.s32 $0x4F80, s26;
	[sflag:s21] =	ssyncadd.s32 $0xFFFFC000;
	(pc) =	sbr.rel @p0 .LBB2_4-.Ltmp1, $4  }
0x62: {  	[spmem:s3] =	stream.indirect.scatter.add.f32 [tilespmem:s18], [sflag:$0x2], $0x80, s26, s19, $0xb8;
	[tilespmem:$0x1F800] =	vst v63  }
0x63: {  	_ =	swait.ge [sflag:s16], $0x4000  }
0x64: {  	[sflag:s16] =	ssyncset.done $0x0  }
0x65: {  	s25 =	sadd.s32 $0x200, s25;
	[sflag:s16] =	ssyncadd.s32 $0xFFFFC000  }
0x66: {  	s24 =	sadd.s32 $0x1, s24  }
0x67: {  	p0 =	sne.s32 s24, s10  }
.Ltmp2:
0x68: {  	[bflag:$0x0] =	sbarrier.arrive $0xFFFF;
	(pc) =	sbr.rel @p0 .LBB2_1-.Ltmp2, $4  }
0x69: {  	[hbm:s9], [sflag:s22] =	dma.local [spmem:s23], $0x2800  }
0x6a: {  	_ =	swait.ge [sflag:s16], $0x2800  }
0x6b: {  	[sflag:s16] =	ssyncset.done $0x0  }
0x6c: {  	[sflag:s16] =	ssyncadd.s32 $0xFFFFD800  }
0x6d: {  	_ =	sfence.sel $0x180000  }
0x6e: {  	[bflag:$0x0] =	sbarrier.arrive $0xFFFF  }
0x6f: {  	p0 =	sne.s32 s4, $0x0;
	_ =	strace $0x90000047  }
0x70: {  	s0 =	sadd.s32 @!p0 $0x100000, s0;
	[bflag:$0x2] =	sbarrier.arrive $0xFFFF  }
0x71: {  	[sflag:s0] =	ssyncadd.tile.s32 @!p0 $0x1;
	_ =	shalt  }
.Lfunc_end2:
_tile_overlayer_lowered:
.L_overlay_start_2:
0x72: {  	(tag) =	ssettag $0x2  }
0x73: {  	s0 =	rddreg [dreg:$0x0];
	s2 =	stileid.u32  }
0x74: {  	s1 =	rddreg [dreg:$0x1];
	p0 =	sne.s32 s2, $0x0  }
0x75: {  	s3 =	rddreg [dreg:$0x2];
	[bflag:$0x3] =	sbarrier.arrive $0xFFFF;
	s2 =	simm.s32 @!p0 $0x1C02  }
0x76: {  	[timem:s3], [sflag:s2] =	dma.local @!p0 [hbm:s0], s1  }
0x77: {  	s0 =	simm.s32 @!p0 $0x2  }
0x78: {  	_ =	swait.ge @!p0 [sflag:s0], s1  }
0x79: {  	s1 =	ssub.s32 @!p0 $0x0, s1;
	[sflag:s0] =	ssyncset.done @!p0 $0x0  }
0x7a: {  	[sflag:s0] =	ssyncadd.s32 @!p0 s1  }
0x7b: {  	[bflag:$0x3] =	sbarrier.arrive $0xFFFF  }
0x7c: {  	_ =	shalt  }

// kernel: kernel.9.cloned.1.call-start
scs
__scs_entry_jumppad:
0x0: {  	(pc) =	sbr.rel $0x88, $3  }
0x1: {  	(tag) =	ssettag $0x0;
	lr =	simm.s32 $0x1  }
0x2: {  	[smem:$0x3F9A] =	sst lr;
	_ =	strace $0xD0000000  }
0x3: {  	_ = 	snop  }
0x4: {  	_ = 	snop  }
0x5: {  	_ = 	snop  }
0x6: {  	_ = 	snop  }
0x7: {  	_ = 	snop  }
__scs_overlays_trampoline_lowered:
0x8: {  	[smem:$0x3FA9] =	sst s0  }
0x9: {  	[smem:$0x3FAA] =	sst s1  }
0xa: {  	[smem:$0x3FAB] =	sst s2  }
0xb: {  	[smem:$0x3FAC] =	sst s3  }
0xc: {  	[smem:$0x3FAD] =	sst s4  }
0xd: {  	[smem:$0x3FAE] =	sst s5  }
0xe: {  	[smem:$0x3FAF] =	sst s6  }
0xf: {  	[smem:$0x3FB0] =	sst s7  }
0x10: {  	[smem:$0x3FB1] =	sst s8  }
0x11: {  	[smem:$0x3FB2] =	sst s9;
	s0 =	simm.s32 @!p0 $0x0  }
0x12: {  	s1 =	sld [smem:$0x3F98];
	s0 =	simm.s32 @p0 $0x1  }
0x13: {  	[smem:$0x3FB3] =	sst s0;
	s0 =	simm.s32 @!p1 $0x0  }
0x14: {  	s2 =	sld [smem:$0x3F97];
	s0 =	simm.s32 @p1 $0x1  }
0x15: {  	[smem:$0x3FB4] =	sst s0;
	s0 =	simm.s32 @!p2 $0x0  }
0x16: {  	s3 =	sld [smem:$0x3FDB];
	s0 =	simm.s32 @p2 $0x1  }
0x17: {  	s4 =	simm.s32 $0x1BF5;
	[smem:$0x3FB6] =	sst s0  }
0x18: {  	s0 =	sld [smem:$0x3F99];
	_ =	swait.ge [sflag:s4], $0x0  }
0x19: {  	s7 =	sld [smem:$0x3F9A]  }
0x1a: {  	s8 =	sadd.s32 $0xFFFFE003, lr  }
0x1b: {  	s9 =	sadd.s32 $0xFFFFFEF7, lr;
	s5 =	simm.s32 $0xFFFFFFFF;
	p2 =	slt.u32 s8, $0xFFFFF086  }
0x1c: {  	p1 =	slt.u32 s9, $0xF7A;
	s5 =	simm.s32 @!p2 $0x0  }
0x1d: {  	s5 =	simm.s32 @p1 $0x1;
	p0 =	seq.s32 s7, s2  }
0x1e: {  	s7 =	smul.u32 @!p0 $0xF7A, s2;
	p2 =	seq.s32 @!p0 s5, $0x0  }
0x1f: {  	s9 =	smul.u32 $0xF7A, s1;
	s8 =	simm.s32 @!p0 $0x1BF5;
	p2 =	por !p2, p0  }
0x20: {  	[sflag:s8] =	ssyncset.s32 @!p0 $0xFFFFF086;
	s6 =	sadd.s32 @!p0 s3, s7;
	s7 =	simm.s32 @!p0 $0x108  }
0x21: {  	s3 =	sadd.s32 s3, s9;
	s6 =	sadd.s32 @!p0 $0x88, s6;
	s7 =	simm.s32 @p2 $0x1082  }
0x22: {  	[simem:s7], [sflag:s8] =	dma.local @!p0 [hbm:s6], $0xF7A  }
0x23: {  	s9 =	sor.u32 $0xD0000000, s2;
	s6 =	simm.s32 $0x108;
	_ =	swait.ge @!p0 [sflag:s8], $0x0  }
0x24: {  	s3 =	sadd.s32 $0x88, s3;
	s6 =	simm.s32 @!p1 $0x1082;
	[sflag:s4] =	ssyncset.s32 $0xFFFFF086  }
0x25: {  	[simem:s6], [sflag:s4] =	dma.local [hbm:s3], $0xF7A  }
0x26: {  	[smem:$0x3F9A] =	sst s1;
	(tag) =	ssettag s2;
	_ =	strace s9  }
0x27: {  	s1 =	sld [smem:$0x3FAA]  }
0x28: {  	s2 =	sld [smem:$0x3FAB]  }
0x29: {  	s4 =	sld [smem:$0x3FAD]  }
0x2a: {  	p0 =	seq.s32 s5, $0x0;
	s5 =	sld [smem:$0x3FAE]  }
0x2b: {  	s6 =	sld [smem:$0x3FAF]  }
0x2c: {  	s7 =	sld [smem:$0x3FB0]  }
0x2d: {  	s3 =	simm.s32 $0x108;
	s8 =	sld [smem:$0x3FB1]  }
0x2e: {  	s3 =	simm.s32 @!p0 $0x1082;
	s9 =	sld [smem:$0x3FB2]  }
0x2f: {  	lr =	sadd.s32 s0, s3;
	s0 =	sld [smem:$0x3FA9]  }
0x30: {  	s3 =	sld [smem:$0x3FAC]  }
0x31: {  	[smem:$0x3FB5] =	sst s10  }
0x32: {  	s10 =	sld [smem:$0x3FB3];
	_ =	sdelay $0x3  }
0x33: {  	p0 =	seq.s32 s10, $0x1;
	s10 =	sld [smem:$0x3FB5];
	_ =	sdelay $0x3  }
0x34: {  	[smem:$0x3FB5] =	sst s10  }
0x35: {  	s10 =	sld [smem:$0x3FB4];
	_ =	sdelay $0x3  }
0x36: {  	p1 =	seq.s32 s10, $0x1;
	s10 =	sld [smem:$0x3FB5];
	_ =	sdelay $0x3  }
0x37: {  	[smem:$0x3FB5] =	sst s10  }
0x38: {  	s10 =	sld [smem:$0x3FB6]  }
0x39: {  	_ = 	snop;
	(pc) =	sbr.ind lr, $3  }
0x3a: {  	_ = 	snop  }
0x3b: {  	_ = 	snop  }
0x3c: {  	p2 =	seq.s32 s10, $0x1;
	s10 =	sld [smem:$0x3FB5]  }
0x3d: {  	_ =	shalt  }
0x3e: {  	_ =	shalt  }
0x3f: {  	_ =	shalt  }
0x40: {  	_ =	shalt  }
0x41: {  	_ =	shalt  }
0x42: {  	_ =	shalt  }
0x43: {  	_ =	shalt  }
0x44: {  	_ =	shalt  }
0x45: {  	_ =	shalt  }
0x46: {  	_ =	shalt  }
0x47: {  	_ =	shalt  }
0x48: {  	_ =	shalt  }
0x49: {  	_ =	shalt  }
0x4a: {  	_ =	shalt  }
0x4b: {  	_ =	shalt  }
0x4c: {  	_ =	shalt  }
0x4d: {  	_ =	shalt  }
0x4e: {  	_ =	shalt  }
0x4f: {  	_ =	shalt  }
0x50: {  	_ =	shalt  }
0x51: {  	_ =	shalt  }
0x52: {  	_ =	shalt  }
0x53: {  	_ =	shalt  }
0x54: {  	_ =	shalt  }
0x55: {  	_ =	shalt  }
0x56: {  	_ =	shalt  }
0x57: {  	_ =	shalt  }
0x58: {  	_ =	shalt  }
0x59: {  	_ =	shalt  }
0x5a: {  	_ =	shalt  }
0x5b: {  	_ =	shalt  }
0x5c: {  	_ =	shalt  }
0x5d: {  	_ =	shalt  }
0x5e: {  	_ =	shalt  }
0x5f: {  	_ =	shalt  }
0x60: {  	_ =	shalt  }
0x61: {  	_ =	shalt  }
0x62: {  	_ =	shalt  }
0x63: {  	_ =	shalt  }
0x64: {  	_ =	shalt  }
0x65: {  	_ =	shalt  }
0x66: {  	_ =	shalt  }
0x67: {  	_ =	shalt  }
0x68: {  	_ =	shalt  }
0x69: {  	_ =	shalt  }
0x6a: {  	_ =	shalt  }
0x6b: {  	_ =	shalt  }
0x6c: {  	_ =	shalt  }
0x6d: {  	_ =	shalt  }
0x6e: {  	_ =	shalt  }
0x6f: {  	_ =	shalt  }
0x70: {  	_ =	shalt  }
0x71: {  	_ =	shalt  }
0x72: {  	_ =	shalt  }
0x73: {  	_ =	shalt  }
0x74: {  	_ =	shalt  }
0x75: {  	_ =	shalt  }
0x76: {  	_ =	shalt  }
0x77: {  	_ =	shalt  }
0x78: {  	_ =	shalt  }
0x79: {  	_ =	shalt  }
0x7a: {  	_ =	shalt  }
0x7b: {  	_ =	shalt  }
0x7c: {  	_ =	shalt  }
0x7d: {  	_ =	shalt  }
0x7e: {  	_ =	shalt  }
0x7f: {  	_ =	shalt  }
0x80: {  	_ =	shalt  }
0x81: {  	_ =	shalt  }
0x82: {  	_ =	shalt  }
0x83: {  	_ =	shalt  }
0x84: {  	_ =	shalt  }
0x85: {  	_ =	shalt  }
0x86: {  	_ =	shalt  }
0x87: {  	_ =	shalt  }
.Lfunc_end0:
.L_simem_size_0:
called_computation.1_lowered:
.L_overlay_start_0:
0x88: {  	s2 =	sld [smem:$0x3FD9]  }
0x89: {  	s3 =	sld [smem:$0x3FFE];
	_ =	sdelay $0x1  }
0x8a: {  	s1 =	srdreg.scid  }
0x8b: {  	s0 =	sand.u32 $0x1, s1  }
0x8c: {  	s17 =	sshll.u32 s0, $0xA;
	s2 =	sadd.s32 s3, s2  }
0x8d: {  	s2 =	sadd.s32 s2, s17  }
0x8e: {  	[smem:$0x3FC1] =	sst s2  }
0x8f: {  	_ = 	snop  }
0x90: {  	s2 =	sld [smem:$0x3FD0];
	(tm) =	ssettm $0x1  }
0x91: {  	s18 =	sld [smem:$0x3FFB];
	_ =	sdelay $0x3  }
0x92: {  	_ =	strace s18  }
0x93: {  	s3 =	sld [smem:$0x3FFC];
	_ =	sdelay $0x3  }
0x94: {  	_ =	strace s3  }
0x95: {  	s3 =	sld [smem:$0x3FFD];
	_ =	sdelay $0x3  }
0x96: {  	_ =	strace s3  }
0x97: {  	_ =	strace $0x8FFFFFFF  }
0x98: {  	s19 =	sld [smem:$0x3FDB];
	_ =	sdelay $0x1  }
0x99: {  	s4 =	simm.s32 $_scs_section_size  }
0x9a: {  	s5 =	simm.s32 $_size__tile_overlayer_lowered;
	s6 =	simm.s32 $_tile_overlayer_lowered  }
0x9b: {  	s22 =	simm.s32 $0x1BFF;
	s21 =	sshll.u32 s6, $0x1;
	s3 =	sadd.s32 s4, s19  }
0x9c: {  	s7 =	simm.s32 $0x0;
	s20 =	sshll.u32 s5, $0x1;
	s5 =	sadd.s32 s21, s3  }
0x9d: {  	[timem:s7], [sflag:s22] =	dma.local [hbm:s5], s20  }
0x9e: {  	_ =	swait.ge [sflag:s22], s20  }
0x9f: {  	s4 =	ssub.s32 $0x0, s20;
	[sflag:s22] =	ssyncset.done $0x0  }
0xa0: {  	[sflag:s22] =	ssyncadd.s32 s4;
	_ =	sdelay $0x1  }
0xa1: {  	s23 =	simm.s32 $0x1B8B  }
0xa2: {  	_ =	swait.ge [sflag:s23], $0x1  }
0xa3: {  	[sflag:s23] =	ssyncset.done $0x0  }
0xa4: {  	s25 =	simm.s32 $0x1B8E;
	s24 =	sld [smem:$0x3FFE];
	[sflag:s23] =	ssyncadd.s32 $0xFFFFFFFF  }
0xa5: {  	s26 =	simm.s32 $execute0_lowered;
	[smem:$0x3FD2] =	sst s25  }
0xa6: {  	s5 =	sshll.u32 s26, $0x1;
	_ =	strace $0x80000049;
	[dreg:$0x1] =	wrdreg $0xFFFFFFFF  }
0xa7: {  	s28 =	simm.s32 $_size_execute0_lowered;
	s3 =	sadd.s32 s3, s5;
	[dreg:$0x0] =	wrdreg $0x0  }
0xa8: {  	s5 =	sshll.u32 s28, $0x1;
	[dreg:$0x2] =	wrdreg s3  }
0xa9: {  	[dreg:$0x3] =	wrdreg s5  }
0xaa: {  	[dreg:$0x4] =	wrdreg $0xC0  }
0xab: {  	_ =	task [dreg:s7], $0x5FFFF  }
0xac: {  	[dreg:$0x1] =	wrdreg $0xFFFFFFFF  }
0xad: {  	[dreg:$0x0] =	wrdreg $0x60  }
0xae: {  	[dreg:$0x2] =	wrdreg s24  }
0xaf: {  	[dreg:$0x3] =	wrdreg s2  }
0xb0: {  	[dreg:$0x4] =	wrdreg $0x90000  }
0xb1: {  	[dreg:$0x5] =	wrdreg $0x9  }
0xb2: {  	_ =	task.clear_ibuf [dreg:s7], $0x6FFFF;
	_ =	strace $0x90000049  }
0xb3: {  	s29 =	simm.s32 $0x9;
	_ =	strace $0x8000004B  }
0xb4: {  	_ =	swait.ge [sflag:s29], $0x1  }
0xb5: {  	[sflag:s29] =	ssyncadd.s32 $0xFFFFFFFF  }
0xb6: {  	_ =	strace $0x9000004B  }
0xb7: {  	_ =	sfence  }
0xb8: {  	s30 =	sld [smem:$0x0];
	_ =	sdelay $0x2  }
0xb9: {  	s31 =	sshll.u32 s1, $0xD;
	s1 =	sshrl.u32 s1, $0x2  }
0xba: {  	s3 =	sand.u32 $0x4000, s31;
	s1 =	sadd.s32 s1, s30  }
0xbb: {  	s0 =	sor.u32 s3, s0;
	s1 =	sshll.u32 s1, $0x11  }
0xbc: {  	s0 =	sor.u32 s1, s0  }
0xbd: {  	s0 =	sadd.s32 $0x8F2B, s0  }
0xbe: {  	[sflag:s0] =	ssyncadd.remote.s32 $0x1  }
0xbf: {  	_ =	sfence.sel $0xFFFF  }
0xc0: {  	[dreg:$0x0] =	wrdreg $0xFFFFFFFF;
	(pc) =	sbr.abs _section_cstart, $3  }
0xc1: {  	[dreg:$0x1] =	wrdreg $0xFFFFFFFF  }
0xc2: {  	_ =	task.clear_ibuf [dreg:s7], $0x2FFFF;
	_ =	strace $0x9FFFFFFF  }
0xc3: {  	(tm) =	ssettm $0x7FFFFFFF  }
tec
execute0_lowered:
.L_overlay_start_1:
0x0: {  	(tag) =	ssettag $0x1  }
0x1: {  	s5 =	rddreg [dreg:$0x0]  }
0x2: {  	s6 =	rddreg [dreg:$0x1]  }
0x3: {  	s2 =	rddreg [dreg:$0x2];
	s3 =	srdreg.scid  }
0x4: {  	s0 =	rddreg [dreg:$0x3];
	s1 =	stileid.u32;
	s14 =	simm.s32 $0x2  }
0x5: {  	s15 =	simm.s32 $0x2800;
	s16 =	simm.s32 $0x5000;
	s17 =	simm.s32 $0x80  }
0x6: {  	s18 =	simm.s32 $0x1;
	s21 =	simm.s32 $0x0;
	s10 =	smul.u32 $0x14000, s1  }
0x7: {  	s7 =	sand.u32 $0x1, s3;
	s3 =	simm.s32 $0x0;
	s30 =	smul.u32 $0x50000, s1  }
0x8: {  	s4 =	sshll.u32 s1, $0x1;
	s19 =	sshll.u32 s1, $0x6;
	s8 =	smul.u32 $0x140000, s7  }
0x9: {  	[smem:$0x7FF] =	sst s3;
	s9 =	sor.u32 s7, s4;
	s4 =	sadd.s32 $0xAE00, s5  }
0xa: {  	s7 =	ssub.s32 $0x2, s7;
	s19 =	sor.u32 $0x1C02, s19;
	_ =	strace $0x8000004A  }
0xb: {  	s9 =	smul.u32 $0x500, s9;
	s12 =	sshrl.u32 s7, $0x1;
	s31 =	sshrl.u32 s30, $0x2  }
0xc: {  	s8 =	sadd.s32 s10, s8;
	s12 =	ssub.s32 s7, s12;
	s7 =	sadd.s32 s31, s2  }
0xd: {  	s11 =	sadd.s32 s9, s5;
	s8 =	sshrl.u32 s8, $0x3;
	s10 =	sadd.s32 $0x4000, s7  }
0xe: {  	s13 =	sadd.s32 $0x10000, s7;
	s20 =	sshrl.u32 s7, $0x3;
	s8 =	sadd.s32 s8, s5  }
0xf: {  	s5 =	sadd.s32 s6, s9;
	s6 =	sadd.s32 $0xE00, s11;
	s9 =	smax.u32 s12, $0x1  }
0x10: {  	v0 =	vimm.f32 $0.0e+00;
	s11 =	sadd.s32 $0x8000, s7;
	s12 =	sadd.s32 $0xC000, s7;
	s8 =	sadd.s32 $0x32E00, s8  }
.LBB2_1:
0x11: {  	[tilespmem:s3], [sflag:$0x2] =	stream.linear.gather [hbm4b:s5+s3], $0x2780, $0x38;
	[tilespmem:$0x1D000] =	vst v63  }
0x12: {  	_ =	swait.ge [sflag:s14], $0x2780  }
0x13: {  	[sflag:s14] =	ssyncset.done $0x0  }
0x14: {  	[sflag:s14] =	ssyncadd.s32 $0xFFFFD880  }
0x15: {  	[tilespmem:s15], [sflag:$0x2] =	stream.linear.gather [hbm4b:s6+s3], $0x2780, $0x38;
	[tilespmem:$0x1D000] =	vst v63  }
0x16: {  	_ =	swait.ge [sflag:s14], $0x2780  }
0x17: {  	[sflag:s14] =	ssyncset.done $0x0  }
0x18: {  	s22 =	simm.s32 $0x0;
	s23 =	simm.s32 $0x200;
	[sflag:s14] =	ssyncadd.s32 $0xFFFFD880  }
.LBB2_2:
0x19: {  	p0 =	sne.s32 s23, $0xFE00;
	[tilespmem:s22+$0x5070] =	vst v0  }
0x1a: {  	[tilespmem:s22+$0x5000] =	vst v0  }
0x1b: {  	[tilespmem:s22+$0x5010] =	vst v0  }
.Ltmp0:
0x1c: {  	[tilespmem:s22+$0x5020] =	vst v0;
	(pc) =	sbr.rel @p0 .LBB2_2-.Ltmp0, $4  }
0x1d: {  	[tilespmem:s22+$0x5030] =	vst v0  }
0x1e: {  	[tilespmem:s22+$0x5040] =	vst v0  }
0x1f: {  	[tilespmem:s22+$0x5050] =	vst v0  }
0x20: {  	[tilespmem:s22+$0x5060] =	vst v0;
	s22 =	sshra.s32 s23, $0x2;
	s23 =	sadd.s32 $0x200, s23  }
0x21: {  	[tilespmem:s22+$0x5070] =	vst v0  }
0x22: {  	[tilespmem:s22+$0x5000] =	vst v0  }
0x23: {  	[tilespmem:s22+$0x5010] =	vst v0  }
0x24: {  	[tilespmem:s22+$0x5020] =	vst v0  }
0x25: {  	[tilespmem:s22+$0x5030] =	vst v0  }
0x26: {  	[tilespmem:s22+$0x5040] =	vst v0  }
0x27: {  	[tilespmem:s22+$0x5050] =	vst v0  }
0x28: {  	[tilespmem:s22+$0x5060] =	vst v0  }
0x29: {  	[spmem:s7] =	stream.linear.scatter [tilespmem:s16], [sflag:$0x2], $0x4000, $0x38;
	[tilespmem:$0x1D000] =	vst v63  }
0x2a: {  	_ =	swait.ge [sflag:s14], $0x4000  }
0x2b: {  	[sflag:s14] =	ssyncset.done $0x0  }
0x2c: {  	[sflag:s14] =	ssyncadd.s32 $0xFFFFC000  }
0x2d: {  	[spmem:s10] =	stream.linear.scatter [tilespmem:s16], [sflag:$0x2], $0x4000, $0x38;
	[tilespmem:$0x1D000] =	vst v63  }
0x2e: {  	_ =	swait.ge [sflag:s14], $0x4000  }
0x2f: {  	[sflag:s14] =	ssyncset.done $0x0  }
0x30: {  	[sflag:s14] =	ssyncadd.s32 $0xFFFFC000  }
0x31: {  	[spmem:s11] =	stream.linear.scatter [tilespmem:s16], [sflag:$0x2], $0x4000, $0x38;
	[tilespmem:$0x1D000] =	vst v63  }
0x32: {  	_ =	swait.ge [sflag:s14], $0x4000  }
0x33: {  	[sflag:s14] =	ssyncset.done $0x0  }
0x34: {  	[sflag:s14] =	ssyncadd.s32 $0xFFFFC000  }
0x35: {  	[spmem:s12] =	stream.linear.scatter [tilespmem:s16], [sflag:$0x2], $0x4000, $0x38;
	[tilespmem:$0x1D000] =	vst v63  }
0x36: {  	_ =	swait.ge [sflag:s14], $0x4000  }
0x37: {  	[sflag:s14] =	ssyncset.done $0x0  }
0x38: {  	[sflag:s14] =	ssyncadd.s32 $0xFFFFC000  }
0x39: {  	[spmem:s13] =	stream.linear.scatter [tilespmem:s16], [sflag:$0x2], $0x4000, $0x38;
	[tilespmem:$0x1D000] =	vst v63  }
0x3a: {  	_ =	swait.ge [sflag:s14], $0x4000  }
0x3b: {  	[sflag:s14] =	ssyncset.done $0x0  }
0x3c: {  	[sflag:s14] =	ssyncadd.s32 $0xFFFFC000  }
0x3d: {  	s30 =	simm.s32 $0x0;
	[bflag:$0x0] =	sbarrier.arrive $0xFFFF  }
0x3e: {  	[tilespmem:s16], [sflag:$0x1] =	stream.indirect.gather [hbm4b:s4+s17], $0x80, s30, s17, $0xb8;
	[tilespmem:$0x1D000] =	vst v63  }
0x3f: {  	_ =	swait.ge [sflag:s18], $0x4000  }
0x40: {  	[sflag:s18] =	ssyncset.done $0x0  }
0x41: {  	s31 =	simm.s32 $0x2800;
	[sflag:s18] =	ssyncadd.s32 $0xFFFFC000  }
0x42: {  	[spmem:s2] =	stream.indirect.scatter.add.f32 [tilespmem:s16], [sflag:$0x2], $0x80, s31, s17, $0xb8;
	[tilespmem:$0x1D000] =	vst v63  }
0x43: {  	_ =	swait.ge [sflag:s14], $0x4000  }
0x44: {  	s22 =	simm.s32 $0x200;
	s23 =	simm.s32 $0x400;
	[sflag:s14] =	ssyncset.done $0x0  }
.LBB2_4:
0x45: {  	s24 =	sshra.s32 s22, $0x2  }
0x46: {  	[sflag:s14] =	ssyncadd.s32 $0xFFFFC000;
	s22 =	smov.u32 s23;
	s25 =	sadd.s32 $0x200, s23  }
0x47: {  	[tilespmem:s16], [sflag:$0x1] =	stream.indirect.gather [hbm4b:s4+s17], $0x80, s24, s17, $0xb8;
	[tilespmem:$0x1D000] =	vst v63  }
0x48: {  	p0 =	sne.s32 s23, $0x9C00;
	_ =	swait.ge [sflag:s18], $0x4000  }
.Ltmp1:
0x49: {  	[sflag:s18] =	ssyncset.done $0x0;
	(pc) =	sbr.rel @p0 .LBB2_4-.Ltmp1, $4  }
0x4a: {  	s23 =	sadd.s32 $0x2800, s24;
	[sflag:s18] =	ssyncadd.s32 $0xFFFFC000  }
0x4b: {  	[spmem:s2] =	stream.indirect.scatter.add.f32 [tilespmem:s16], [sflag:$0x2], $0x80, s23, s17, $0xb8;
	[tilespmem:$0x1D000] =	vst v63  }
0x4c: {  	_ =	swait.ge [sflag:s14], $0x4000  }
0x4d: {  	s23 =	smov.u32 s25;
	[sflag:s14] =	ssyncset.done $0x0  }
0x4e: {  	s22 =	sshra.s32 s22, $0x2;
	[sflag:s14] =	ssyncadd.s32 $0xFFFFC000  }
0x4f: {  	[tilespmem:s16], [sflag:$0x1] =	stream.indirect.gather [hbm4b:s4+s17], $0x80, s22, s17, $0xb8;
	[tilespmem:$0x1D000] =	vst v63  }
0x50: {  	_ =	swait.ge [sflag:s18], $0x4000  }
0x51: {  	[sflag:s18] =	ssyncset.done $0x0  }
0x52: {  	s22 =	sadd.s32 $0x2800, s22;
	[sflag:s18] =	ssyncadd.s32 $0xFFFFC000  }
0x53: {  	[spmem:s2] =	stream.indirect.scatter.add.f32 [tilespmem:s16], [sflag:$0x2], $0x80, s22, s17, $0xb8;
	[tilespmem:$0x1D000] =	vst v63  }
0x54: {  	_ =	swait.ge [sflag:s14], $0x4000  }
0x55: {  	s21 =	sadd.s32 $0x1, s21;
	[sflag:s14] =	ssyncset.done $0x0  }
0x56: {  	p0 =	sne.s32 s21, s9;
	[sflag:s14] =	ssyncadd.s32 $0xFFFFC000  }
.Ltmp2:
0x57: {  	[bflag:$0x0] =	sbarrier.arrive $0xFFFF;
	(pc) =	sbr.rel @p0 .LBB2_1-.Ltmp2, $4  }
0x58: {  	[hbm:s8], [sflag:s19] =	dma.local [spmem:s20], $0x2800  }
0x59: {  	_ =	swait.ge [sflag:s14], $0x2800  }
0x5a: {  	[sflag:s14] =	ssyncset.done $0x0  }
0x5b: {  	[sflag:s14] =	ssyncadd.s32 $0xFFFFD800  }
0x5c: {  	_ =	sfence.sel $0x180000  }
0x5d: {  	[bflag:$0x0] =	sbarrier.arrive $0xFFFF  }
0x5e: {  	p0 =	sne.s32 s1, $0x0;
	_ =	strace $0x9000004A  }
0x5f: {  	s0 =	sadd.s32 @!p0 $0x100000, s0;
	[bflag:$0x2] =	sbarrier.arrive $0xFFFF  }
0x60: {  	[sflag:s0] =	ssyncadd.tile.s32 @!p0 $0x1;
	_ =	shalt  }
.Lfunc_end2:
_tile_overlayer_lowered:
.L_overlay_start_2:
0x61: {  	(tag) =	ssettag $0x2  }
0x62: {  	s0 =	rddreg [dreg:$0x0];
	s2 =	stileid.u32  }
0x63: {  	s1 =	rddreg [dreg:$0x1];
	p0 =	sne.s32 s2, $0x0  }
0x64: {  	s3 =	rddreg [dreg:$0x2];
	[bflag:$0x3] =	sbarrier.arrive $0xFFFF;
	s2 =	simm.s32 @!p0 $0x1C02  }
0x65: {  	[timem:s3], [sflag:s2] =	dma.local @!p0 [hbm:s0], s1  }
0x66: {  	s0 =	simm.s32 @!p0 $0x2  }
0x67: {  	_ =	swait.ge @!p0 [sflag:s0], s1  }
0x68: {  	s1 =	ssub.s32 @!p0 $0x0, s1;
	[sflag:s0] =	ssyncset.done @!p0 $0x0  }
0x69: {  	[sflag:s0] =	ssyncadd.s32 @!p0 s1  }
0x6a: {  	[bflag:$0x3] =	sbarrier.arrive $0xFFFF  }
0x6b: {  	_ =	shalt  }

</sc_bundles>
